<compile_context>
chip_gen: v7x
topology: tpu7x:2x2x1
jax: 0.10.2.dev20260603
libtpu: 0.0.44.dev20260713+nightly
codegen_flags: <defaults>
</compile_context>

<pallas_src>
import functools

import jax
import jax.numpy as jnp
from jax import lax
from jax.experimental import pallas as pl
from jax.experimental.pallas import tpu as pltpu
from jax.experimental.pallas import tpu_sc as plsc

N = 10000
E = 160000
DH = 256
HALF = DH // 2

NC, NS, L = 2, 16, 16
NW = NC * NS
EPW = E // NW
EPS = E // NS
CHUNK = 80
NCH = EPS // CHUNK
NSLOT = 3
RPT = 632

_MESH = plsc.VectorSubcoreMesh(
    core_axis_name="c", subcore_axis_name="s", num_cores=NC, num_subcores=NS)


def _deg_body(ei_hbm, out_hbm, dbuf, hist):
    c = lax.axis_index("c")
    s = lax.axis_index("s")
    wid = s * NC + c

    def zero(i, _):
        hist[0, pl.ds(i * L, L)] = jnp.zeros((L,), jnp.float32)
        return 0
    lax.fori_loop(0, N // L, zero, 0)

    pltpu.sync_copy(ei_hbm.at[pl.ds(E + wid * EPW, EPW)],
                    dbuf.at[pl.ds(0, EPW)])
    ones = jnp.ones((L,), jnp.float32)
    hrow = hist.at[0]

    def body(i, _):
        plsc.addupdate_scatter(hrow, [dbuf[pl.ds(i * L, L)]], ones)
        return 0
    lax.fori_loop(0, EPW // L, body, 0)
    rem = EPW - (EPW // L) * L
    if rem:
        mask = lax.iota(jnp.int32, L) < rem
        plsc.addupdate_scatter(
            hrow, [dbuf[pl.ds((EPW // L) * L, L)]], ones, mask=mask)
    pltpu.sync_copy(hist, out_hbm.at[wid])


_SC_PARAMS = pltpu.CompilerParams(needs_layout_passes=False)

_deg_call = pl.kernel(
    _deg_body,
    out_type=jax.ShapeDtypeStruct((NW, 1, N), jnp.float32),
    mesh=_MESH,
    compiler_params=_SC_PARAMS,
    scratch_types=[
        pltpu.VMEM((EPW + 16,), jnp.int32),
        pltpu.VMEM((1, N), jnp.float32),
    ],
)


def _agg_body(ei_hbm, g_hbm, out_hbm,
              srcb_all, dstc0, dstc1, dstc2, rows0, rows1, rows2,
              acc, isem, gsem0, gsem1, gsem2, ssem0, ssem1, ssem2,
              dsem0, dsem1, dsem2):
    c = lax.axis_index("c")
    s = lax.axis_index("s")
    coff = c * N
    ebase = s * EPS

    idx_cp = pltpu.async_copy(ei_hbm.at[pl.ds(ebase, EPS)], srcb_all, isem)

    rbase = jnp.minimum(s * RPT, N - RPT)
    pltpu.sync_copy(g_hbm.at[pl.ds(coff + rbase, RPT)],
                    acc.at[pl.ds(rbase, RPT)])
    idx_cp.wait()

    def shift(v, _):
        sl = pl.ds(v * L, L)
        srcb_all[sl] = srcb_all[sl] + coff
        return 0
    lax.fori_loop(0, EPS // L, shift, 0)
    plsc.subcore_barrier()

    dstcs = (dstc0, dstc1, dstc2)
    rowss = (rows0, rows1, rows2)
    gsems = (gsem0, gsem1, gsem2)
    ssems = (ssem0, ssem1, ssem2)
    dsems = (dsem0, dsem1, dsem2)

    def start_chunk(j, b):
        pltpu.async_copy(ei_hbm.at[pl.ds(E + ebase + j * CHUNK, CHUNK)],
                         dstcs[b], dsems[b])
        pltpu.async_copy(g_hbm.at[srcb_all.at[pl.ds(j * CHUNK, CHUNK)]],
                         rowss[b], gsems[b])

    def wait_chunk(j, b):
        pltpu.make_async_copy(ei_hbm.at[pl.ds(E + ebase + j * CHUNK, CHUNK)],
                              dstcs[b], dsems[b]).wait()
        pltpu.make_async_copy(g_hbm.at[srcb_all.at[pl.ds(j * CHUNK, CHUNK)]],
                              rowss[b], gsems[b]).wait()

    def start_scatter(b):
        pltpu.async_copy(rowss[b], acc.at[dstcs[b]], ssems[b], add=True)

    def wait_scatter(b):
        pltpu.make_async_copy(rowss[b], acc.at[dstcs[b]], ssems[b]).wait()

    for b in range(NSLOT):
        start_chunk(b, b)

    def body(i, _):
        for b in range(NSLOT):
            j = NSLOT * i + b

            @pl.when(j < NCH)
            def _():
                wait_chunk(j, b)
                start_scatter(b)

            @pl.when(j + NSLOT < NCH)
            def _():
                wait_scatter(b)
                start_chunk(j + NSLOT, b)
        return 0
    lax.fori_loop(0, (NCH + NSLOT - 1) // NSLOT, body, 0)
    for b in range(NSLOT):
        wait_scatter(b)

    plsc.subcore_barrier()
    pltpu.sync_copy(acc.at[pl.ds(rbase, RPT)],
                    out_hbm.at[pl.ds(coff + rbase, RPT)])


_agg_call = pl.kernel(
    _agg_body,
    out_type=jax.ShapeDtypeStruct((NC * N, HALF), jnp.float32),
    mesh=_MESH,
    compiler_params=_SC_PARAMS,
    scratch_types=(
        [pltpu.VMEM((EPS,), jnp.int32)]
        + [pltpu.VMEM((CHUNK,), jnp.int32) for _ in range(NSLOT)]
        + [pltpu.VMEM((CHUNK, HALF), jnp.float32) for _ in range(NSLOT)]
        + [pltpu.VMEM_SHARED((N, HALF), jnp.float32)]
        + [pltpu.SemaphoreType.DMA for _ in range(1 + 3 * NSLOT)]
    ),
)


def _prep_body(x_ref, we_ref, be_ref, dp_ref, w1_ref, h_ref, dinv_ref, g_ref):
    h = jnp.dot(x_ref[...], we_ref[...],
                preferred_element_type=jnp.float32) + be_ref[...]
    h_ref[...] = h
    deg = jnp.sum(dp_ref[...], axis=(0, 1)) + 1.0
    dinv = lax.rsqrt(deg)[:, None]
    dinv_ref[...] = dinv
    t = jnp.dot(h, w1_ref[...], preferred_element_type=jnp.float32) * dinv
    g_ref[0] = t[:, :HALF]
    g_ref[1] = t[:, HALF:]


def _prep_call(x, w_emb, b_emb, degp, w1):
    return pl.pallas_call(
        _prep_body,
        out_shape=[
            jax.ShapeDtypeStruct((N, DH), jnp.float32),
            jax.ShapeDtypeStruct((N, 1), jnp.float32),
            jax.ShapeDtypeStruct((NC, N, HALF), jnp.float32),
        ],
    )(x, w_emb, b_emb, degp, w1)


def _fused_body(acc_ref, h_ref, dinv_ref, b_ref, w_ref, hn_ref, g_ref):
    a = jnp.concatenate([acc_ref[0], acc_ref[1]], axis=1)
    hn = jax.nn.relu(a * dinv_ref[...] + b_ref[...]) + h_ref[...]
    hn_ref[...] = hn
    t = jnp.dot(hn, w_ref[...],
                preferred_element_type=jnp.float32) * dinv_ref[...]
    g_ref[0] = t[:, :HALF]
    g_ref[1] = t[:, HALF:]


def _fused_call(acc, h, dinv, b, w):
    blk = 1000
    return pl.pallas_call(
        _fused_body,
        grid=(N // blk,),
        in_specs=[
            pl.BlockSpec((NC, blk, HALF), lambda i: (0, i, 0)),
            pl.BlockSpec((blk, DH), lambda i: (i, 0)),
            pl.BlockSpec((blk, 1), lambda i: (i, 0)),
            pl.BlockSpec((1, DH), lambda i: (0, 0)),
            pl.BlockSpec((DH, DH), lambda i: (0, 0)),
        ],
        out_specs=[
            pl.BlockSpec((blk, DH), lambda i: (i, 0)),
            pl.BlockSpec((NC, blk, HALF), lambda i: (0, i, 0)),
        ],
        out_shape=[
            jax.ShapeDtypeStruct((N, DH), jnp.float32),
            jax.ShapeDtypeStruct((NC, N, HALF), jnp.float32),
        ],
    )(acc, h, dinv, b, w)


def _post_body(acc_ref, h_ref, dinv_ref, b_ref, out_ref):
    a = jnp.concatenate([acc_ref[0], acc_ref[1]], axis=1)
    out_ref[...] = jax.nn.relu(a * dinv_ref[...] + b_ref[...]) + h_ref[...]


def _post_call(acc, h, dinv, b):
    blk = 1000
    return pl.pallas_call(
        _post_body,
        grid=(N // blk,),
        in_specs=[
            pl.BlockSpec((NC, blk, HALF), lambda i: (0, i, 0)),
            pl.BlockSpec((blk, DH), lambda i: (i, 0)),
            pl.BlockSpec((blk, 1), lambda i: (i, 0)),
            pl.BlockSpec((1, DH), lambda i: (0, 0)),
        ],
        out_specs=pl.BlockSpec((blk, DH), lambda i: (i, 0)),
        out_shape=jax.ShapeDtypeStruct((N, DH), jnp.float32),
    )(acc, h, dinv, b)


def kernel(x, edge_index, W_emb, b_emb, W1, b1, W2, b2, W3, b3):
    ei = edge_index.reshape(2 * E)
    degp = _deg_call(ei)
    h, dinv, g = _prep_call(x, W_emb, b_emb.reshape(1, DH), degp, W1)
    for b, W_next in ((b1, W2), (b2, W3)):
        accf = _agg_call(ei, g.reshape(NC * N, HALF))
        h, g = _fused_call(accf.reshape(NC, N, HALF), h, dinv,
                           b.reshape(1, DH), W_next)
    accf = _agg_call(ei, g.reshape(NC * N, HALF))
    return _post_call(accf.reshape(NC, N, HALF), h, dinv, b3.reshape(1, DH))

# --- scband reference (transcript-rebuilt; emitter-appended) ---
"""Pipeline reference for scband-gcnzinc-283467842549 (READ-ONLY COPY).

The authoritative reference and input builder live on the scoring server;
editing this copy changes nothing except your own understanding.
"""

import jax, jax.numpy as jnp
import numpy as np

N_NODES = 10000
N_EDGES = 160000
D_IN = 10
D_HID = 256


def _linear_init(key, fan_in, fan_out):
    bound = 1.0 / np.sqrt(fan_in)
    kw, kb = jax.random.split(key)
    W = jax.random.uniform(kw, (fan_in, fan_out), minval=-bound, maxval=bound, dtype=jnp.float32)
    b = jax.random.uniform(kb, (fan_out,), minval=-bound, maxval=bound, dtype=jnp.float32)
    return W, b


def setup_inputs(seed: int = 0) -> dict:
    key = jax.random.key(seed)
    ks = jax.random.split(key, 6)
    x = jax.random.normal(ks[0], (N_NODES, D_IN), dtype=jnp.float32)
    edge_index = jax.random.randint(ks[1], (2, N_EDGES), 0, N_NODES, dtype=jnp.int32)
    W_emb, b_emb = _linear_init(ks[2], D_IN, D_HID)
    W1, b1 = _linear_init(ks[3], D_HID, D_HID)
    W2, b2 = _linear_init(ks[4], D_HID, D_HID)
    W3, b3 = _linear_init(ks[5], D_HID, D_HID)
    return {"x": x, "edge_index": edge_index, "W_emb": W_emb, "b_emb": b_emb,
            "W1": W1, "b1": b1, "W2": W2, "b2": b2, "W3": W3, "b3": b3}


def _gcn_conv(x, W, b, src, dst):
    # PyG GCNConv: linear transform, add self-loops, symmetric normalization,
    # scatter-add aggregation at destination nodes, then bias.
    n = x.shape[0]
    h = x @ W
    loop = jnp.arange(n, dtype=src.dtype)
    src2 = jnp.concatenate([src, loop])
    dst2 = jnp.concatenate([dst, loop])
    deg = jnp.zeros((n,), dtype=h.dtype).at[dst2].add(1.0)
    deg_inv_sqrt = jnp.where(deg > 0, jax.lax.rsqrt(jnp.maximum(deg, 1e-12)), 0.0)
    norm = deg_inv_sqrt[src2] * deg_inv_sqrt[dst2]
    msg = h[src2] * norm[:, None]
    out = jnp.zeros_like(h).at[dst2].add(msg)
    return out + b


def reference(x, edge_index, W_emb, b_emb, W1, b1, W2, b2, W3, b3):
    src = edge_index[0]
    dst = edge_index[1]
    h = x @ W_emb + b_emb
    h = jax.nn.relu(_gcn_conv(h, W1, b1, src, dst)) + h
    h = jax.nn.relu(_gcn_conv(h, W2, b2, src, dst)) + h
    emb = jax.nn.relu(_gcn_conv(h, W3, b3, src, dst)) + h
    return emb

if __name__ == "__main__":
    import jax
    _d = setup_inputs()
    print(jax.jit(kernel)(*tuple(_d.values())))

</pallas_src>

<mosaic_0001>
#map = affine_map<(d0, d1) -> (0)>
#map1 = affine_map<(d0, d1) -> (0, 0, 0)>
module attributes {stable_mosaic.version = 14 : i64} {
  func.func @_deg_body(%arg0: i32, %arg1: i32, %arg2: memref<320000xi32, #tpu.memory_space<hbm>>, %arg3: memref<32x1x10000xf32, #tpu.memory_space<hbm>>, %arg4: memref<5016xi32, #tpu.memory_space<vmem>>, %arg5: memref<1x10000xf32, #tpu.memory_space<vmem>>) attributes {dimension_semantics = [#tpu.dimension_semantics<core_parallel>, #tpu.dimension_semantics<subcore_parallel>], iteration_bounds = array<i64: 2, 16>, scalar_prefetch = 0 : i64, scratch_operands = 2 : i64, tpu.core_type = #tpu.core_type<sc_vector_subcore>, window_params = [{transform_indices = #map}, {transform_indices = #map1}]} {
    %mul3A = arith.constant 2 : i32
    %mul3A_0 = arith.muli %arg1, %mul3A : i32
    %add3A = arith.addi %mul3A_0, %arg0 : i32
    %scan3A = arith.constant 0 : i32
    %scan3A_1 = arith.constant 0 : i32
    %scan3A_2 = arith.constant 625 : i32
    %scan3A_3 = arith.addi %scan3A_1, %scan3A_2 : i32
    %scan3A_4 = arith.constant 1 : i32
    %scan3A_5 = scf.for %scan3A_26 = %scan3A_1 to %scan3A_3 step %scan3A_4 iter_args(%scan3A_27 = %scan3A) -> (i32)  : i32 {
      %broadcast_in_dim3A_28 = arith.constant 0.000000e+00 : f32
      %broadcast_in_dim3A_29 = vector.broadcast %broadcast_in_dim3A_28 : f32 to vector<16xf32>
      %mul3A_30 = arith.constant 16 : i32
      %mul3A_31 = arith.muli %scan3A_26, %mul3A_30 : i32
      %swap3A = arith.constant 0 : i32
      %swap3A_32 = arith.index_cast %swap3A : i32 to index
      %swap3A_33 = arith.index_cast %mul3A_31 : i32 to index
      %swap3A_34 = tpu.vector_load %arg5[%swap3A_32, %swap3A_33] {strides = array<i32>} : memref<1x10000xf32, #tpu.memory_space<vmem>>, vector<16xf32>,
      tpu.vector_store %arg5[%swap3A_32, %swap3A_33], %broadcast_in_dim3A_29 {strides = array<i32>} : memref<1x10000xf32, #tpu.memory_space<vmem>>, vector<16xf32>,
      %scan3A_35 = arith.constant 0 : i32
      scf.yield %scan3A_35 : i32
    }
    %scan3A_6 = arith.constant 625 : i32
    %mul3A_7 = arith.constant 5000 : i32
    %mul3A_8 = arith.muli %add3A, %mul3A_7 : i32
    %add3A_9 = arith.constant 160000 : i32
    %add3A_10 = arith.addi %add3A_9, %mul3A_8 : i32
    "tpu.region"() ({
      %run_scoped3A = tpu.sem_alloc : memref<!tpu.dma_semaphore, #tpu.memory_space<semaphore_mem>>
      %dma_start3A = arith.constant 0 : i32
      %dma_start3A_26 = tpu.memref_slice %arg4[%dma_start3A] : memref<5016xi32, #tpu.memory_space<vmem>> -> memref<5000xi32, #tpu.memory_space<vmem>>
      %dma_start3A_27 = tpu.memref_slice %arg2[%add3A_10] : memref<320000xi32, #tpu.memory_space<hbm>> -> memref<5000xi32, #tpu.memory_space<hbm>>
      %dma_start3A_28 = arith.constant 0 : i32
      %dma_start3A_29 = tpu.memref_slice %arg4[%dma_start3A_28] : memref<5016xi32, #tpu.memory_space<vmem>> -> memref<5000xi32, #tpu.memory_space<vmem>>
      %dma_start3A_30 = tpu.memref_slice %arg2[%add3A_10] : memref<320000xi32, #tpu.memory_space<hbm>> -> memref<5000xi32, #tpu.memory_space<hbm>>
      tpu.enqueue_dma source(%dma_start3A_30 : memref<5000xi32, #tpu.memory_space<hbm>>) target(%dma_start3A_29 : memref<5000xi32, #tpu.memory_space<vmem>>) target_semaphore(%run_scoped3A : memref<!tpu.dma_semaphore, #tpu.memory_space<semaphore_mem>>)
      %dma_wait3A = arith.constant 0 : i32
      %dma_wait3A_31 = tpu.memref_slice %arg4[%dma_wait3A] : memref<5016xi32, #tpu.memory_space<vmem>> -> memref<5000xi32, #tpu.memory_space<vmem>>
      %dma_wait3A_32 = tpu.memref_slice %arg2[%add3A_10] : memref<320000xi32, #tpu.memory_space<hbm>> -> memref<5000xi32, #tpu.memory_space<hbm>>
      %dma_wait3A_33 = arith.constant 0 : i32
      %dma_wait3A_34 = tpu.memref_slice %arg4[%dma_wait3A_33] : memref<5016xi32, #tpu.memory_space<vmem>> -> memref<5000xi32, #tpu.memory_space<vmem>>
      %dma_wait3A_35 = tpu.memref_slice %arg2[%add3A_10] : memref<320000xi32, #tpu.memory_space<hbm>> -> memref<5000xi32, #tpu.memory_space<hbm>>
      tpu.wait_dma2 semaphore(%run_scoped3A : memref<!tpu.dma_semaphore, #tpu.memory_space<semaphore_mem>>) src(%dma_wait3A_35 : memref<5000xi32, #tpu.memory_space<hbm>>) dst(%dma_wait3A_34 : memref<5000xi32, #tpu.memory_space<vmem>>)
      tpu.yield
    }) : () -> ()
    %broadcast_in_dim3A = arith.constant 1.000000e+00 : f32
    %broadcast_in_dim3A_11 = vector.broadcast %broadcast_in_dim3A : f32 to vector<16xf32>
    %scan3A_12 = arith.constant 0 : i32
    %scan3A_13 = arith.constant 0 : i32
    %scan3A_14 = arith.constant 0 : i32
    %scan3A_15 = arith.constant 312 : i32
    %scan3A_16 = arith.addi %scan3A_14, %scan3A_15 : i32
    %scan3A_17 = arith.constant 1 : i32
    %scan3A_18 = scf.for %scan3A_26 = %scan3A_14 to %scan3A_16 step %scan3A_17 iter_args(%scan3A_27 = %scan3A_13) -> (i32)  : i32 {
      %mul3A_28 = arith.constant 16 : i32
      %mul3A_29 = arith.muli %scan3A_26, %mul3A_28 : i32
      %get3A_30 = arith.index_cast %mul3A_29 : i32 to index
      %get3A_31 = tpu.vector_load %arg4[%get3A_30] {strides = array<i32>} : memref<5016xi32, #tpu.memory_space<vmem>>, vector<16xi32>,
      %scatter3A_32 = arith.constant 0 : i32
      %scatter3A_33 = tpu.memref_slice %arg5[%scan3A_12, %scatter3A_32] : memref<1x10000xf32, #tpu.memory_space<vmem>> -> memref<1x10000xf32, #tpu.memory_space<vmem>>
      %scatter3A_34 = tpu.memref_squeeze %scatter3A_33 : memref<1x10000xf32, #tpu.memory_space<vmem>> -> memref<10000xf32, #tpu.memory_space<vmem>>
      tpu.vector_store_idx %scatter3A_34[%get3A_31], %broadcast_in_dim3A_11 {add = true} : memref<10000xf32, #tpu.memory_space<vmem>>[vector<16xi32>], vector<16xf32>,
      %scan3A_35 = arith.constant 0 : i32
      scf.yield %scan3A_35 : i32
    }
    %scan3A_19 = arith.constant 312 : i32
    %iota3A = tpu.iota {dimensions = array<i32: 0>} : vector<16xi32>
    %lt3A = arith.constant 8 : i32
    %lt3A_20 = vector.broadcast %lt3A : i32 to vector<16xi32>
    %lt3A_21 = arith.cmpi slt, %iota3A, %lt3A_20 : vector<16xi32>
    %get3A = arith.constant 4992 : index
    %get3A_22 = tpu.vector_load %arg4[%get3A] {strides = array<i32>} : memref<5016xi32, #tpu.memory_space<vmem>>, vector<16xi32>,
    %scatter3A = arith.constant 0 : i32
    %scatter3A_23 = arith.constant 0 : i32
    %scatter3A_24 = tpu.memref_slice %arg5[%scatter3A, %scatter3A_23] : memref<1x10000xf32, #tpu.memory_space<vmem>> -> memref<1x10000xf32, #tpu.memory_space<vmem>>
    %scatter3A_25 = tpu.memref_squeeze %scatter3A_24 : memref<1x10000xf32, #tpu.memory_space<vmem>> -> memref<10000xf32, #tpu.memory_space<vmem>>
    tpu.vector_store_idx %scatter3A_25[%get3A_22], %broadcast_in_dim3A_11 masked %lt3A_21 {add = true} : memref<10000xf32, #tpu.memory_space<vmem>>[vector<16xi32>], vector<16xf32>, vector<16xi1>
    "tpu.region"() ({
      %run_scoped3A = tpu.sem_alloc : memref<!tpu.dma_semaphore, #tpu.memory_space<semaphore_mem>>
      %dma_start3A = arith.constant 0 : i32
      %dma_start3A_26 = arith.constant 0 : i32
      %dma_start3A_27 = tpu.memref_slice %arg3[%add3A, %dma_start3A, %dma_start3A_26] : memref<32x1x10000xf32, #tpu.memory_space<hbm>> -> memref<1x1x10000xf32, #tpu.memory_space<hbm>>
      %dma_start3A_28 = tpu.memref_squeeze %dma_start3A_27 : memref<1x1x10000xf32, #tpu.memory_space<hbm>> -> memref<1x10000xf32, #tpu.memory_space<hbm>>
      %dma_start3A_29 = arith.constant 0 : i32
      %dma_start3A_30 = arith.constant 0 : i32
      %dma_start3A_31 = tpu.memref_slice %arg3[%add3A, %dma_start3A_29, %dma_start3A_30] : memref<32x1x10000xf32, #tpu.memory_space<hbm>> -> memref<1x1x10000xf32, #tpu.memory_space<hbm>>
      %dma_start3A_32 = tpu.memref_squeeze %dma_start3A_31 : memref<1x1x10000xf32, #tpu.memory_space<hbm>> -> memref<1x10000xf32, #tpu.memory_space<hbm>>
      tpu.enqueue_dma source(%arg5 : memref<1x10000xf32, #tpu.memory_space<vmem>>) target(%dma_start3A_32 : memref<1x10000xf32, #tpu.memory_space<hbm>>) target_semaphore(%run_scoped3A : memref<!tpu.dma_semaphore, #tpu.memory_space<semaphore_mem>>)
      %dma_wait3A = arith.constant 0 : i32
      %dma_wait3A_33 = arith.constant 0 : i32
      %dma_wait3A_34 = tpu.memref_slice %arg3[%add3A, %dma_wait3A, %dma_wait3A_33] : memref<32x1x10000xf32, #tpu.memory_space<hbm>> -> memref<1x1x10000xf32, #tpu.memory_space<hbm>>
      %dma_wait3A_35 = tpu.memref_squeeze %dma_wait3A_34 : memref<1x1x10000xf32, #tpu.memory_space<hbm>> -> memref<1x10000xf32, #tpu.memory_space<hbm>>
      %dma_wait3A_36 = arith.constant 0 : i32
      %dma_wait3A_37 = arith.constant 0 : i32
      %dma_wait3A_38 = tpu.memref_slice %arg3[%add3A, %dma_wait3A_36, %dma_wait3A_37] : memref<32x1x10000xf32, #tpu.memory_space<hbm>> -> memref<1x1x10000xf32, #tpu.memory_space<hbm>>
      %dma_wait3A_39 = tpu.memref_squeeze %dma_wait3A_38 : memref<1x1x10000xf32, #tpu.memory_space<hbm>> -> memref<1x10000xf32, #tpu.memory_space<hbm>>
      tpu.wait_dma2 semaphore(%run_scoped3A : memref<!tpu.dma_semaphore, #tpu.memory_space<semaphore_mem>>) src(%arg5 : memref<1x10000xf32, #tpu.memory_space<vmem>>) dst(%dma_wait3A_39 : memref<1x10000xf32, #tpu.memory_space<hbm>>)
      tpu.yield
    }) : () -> ()
    return
  }
}

#map = affine_map<(d0, d1) -> (0)>
#map1 = affine_map<(d0, d1) -> (0, 0)>
module attributes {stable_mosaic.version = 14 : i64} {
  func.func @_agg_body(%arg0: i32, %arg1: i32, %arg2: memref<320000xi32, #tpu.memory_space<hbm>>, %arg3: memref<20000x128xf32, #tpu.memory_space<hbm>>, %arg4: memref<20000x128xf32, #tpu.memory_space<hbm>>, %arg5: memref<10000xi32, #tpu.memory_space<vmem>>, %arg6: memref<80xi32, #tpu.memory_space<vmem>>, %arg7: memref<80xi32, #tpu.memory_space<vmem>>, %arg8: memref<80xi32, #tpu.memory_space<vmem>>, %arg9: memref<80x128xf32, #tpu.memory_space<vmem>>, %arg10: memref<80x128xf32, #tpu.memory_space<vmem>>, %arg11: memref<80x128xf32, #tpu.memory_space<vmem>>, %arg12: memref<10000x128xf32, #tpu.memory_space<vmem_shared>>, %arg13: memref<!tpu.dma_semaphore, #tpu.memory_space<semaphore_mem>>, %arg14: memref<!tpu.dma_semaphore, #tpu.memory_space<semaphore_mem>>, %arg15: memref<!tpu.dma_semaphore, #tpu.memory_space<semaphore_mem>>, %arg16: memref<!tpu.dma_semaphore, #tpu.memory_space<semaphore_mem>>, %arg17: memref<!tpu.dma_semaphore, #tpu.memory_space<semaphore_mem>>, %arg18: memref<!tpu.dma_semaphore, #tpu.memory_space<semaphore_mem>>, %arg19: memref<!tpu.dma_semaphore, #tpu.memory_space<semaphore_mem>>, %arg20: memref<!tpu.dma_semaphore, #tpu.memory_space<semaphore_mem>>, %arg21: memref<!tpu.dma_semaphore, #tpu.memory_space<semaphore_mem>>, %arg22: memref<!tpu.dma_semaphore, #tpu.memory_space<semaphore_mem>>) attributes {dimension_semantics = [#tpu.dimension_semantics<core_parallel>, #tpu.dimension_semantics<subcore_parallel>], iteration_bounds = array<i64: 2, 16>, scalar_prefetch = 0 : i64, scratch_operands = 18 : i64, tpu.core_type = #tpu.core_type<sc_vector_subcore>, window_params = [{transform_indices = #map}, {transform_indices = #map1}, {transform_indices = #map1}]} {
    %mul3A = arith.constant 10000 : i32
    %mul3A_0 = arith.muli %arg0, %mul3A : i32
    %mul3A_1 = arith.constant 10000 : i32
    %mul3A_2 = arith.muli %arg1, %mul3A_1 : i32
    %dma_start3A = tpu.memref_slice %arg2[%mul3A_2] : memref<320000xi32, #tpu.memory_space<hbm>> -> memref<10000xi32, #tpu.memory_space<hbm>>
    %dma_start3A_3 = tpu.memref_slice %arg2[%mul3A_2] : memref<320000xi32, #tpu.memory_space<hbm>> -> memref<10000xi32, #tpu.memory_space<hbm>>
    tpu.enqueue_dma source(%dma_start3A_3 : memref<10000xi32, #tpu.memory_space<hbm>>) target(%arg5 : memref<10000xi32, #tpu.memory_space<vmem>>) target_semaphore(%arg13 : memref<!tpu.dma_semaphore, #tpu.memory_space<semaphore_mem>>)
    %mul3A_4 = arith.constant 632 : i32
    %mul3A_5 = arith.muli %arg1, %mul3A_4 : i32
    %min3A = arith.constant 9368 : i32
    %min3A_6 = arith.minsi %mul3A_5, %min3A : i32
    %add3A = arith.addi %mul3A_0, %min3A_6 : i32
    "tpu.region"() ({
      %run_scoped3A = tpu.sem_alloc : memref<!tpu.dma_semaphore, #tpu.memory_space<semaphore_mem>>
      %dma_start3A_65 = arith.constant 0 : i32
      %dma_start3A_66 = tpu.memref_slice %arg12[%min3A_6, %dma_start3A_65] : memref<10000x128xf32, #tpu.memory_space<vmem_shared>> -> memref<632x128xf32, #tpu.memory_space<vmem_shared>>
      %dma_start3A_67 = arith.constant 0 : i32
      %dma_start3A_68 = tpu.memref_slice %arg3[%add3A, %dma_start3A_67] : memref<20000x128xf32, #tpu.memory_space<hbm>> -> memref<632x128xf32, #tpu.memory_space<hbm>>
      tpu.enqueue_dma source(%dma_start3A_68 : memref<632x128xf32, #tpu.memory_space<hbm>>) target(%dma_start3A_66 : memref<632x128xf32, #tpu.memory_space<vmem_shared>>) target_semaphore(%run_scoped3A : memref<!tpu.dma_semaphore, #tpu.memory_space<semaphore_mem>>)
      %dma_wait3A_69 = arith.constant 0 : i32
      %dma_wait3A_70 = tpu.memref_slice %arg12[%min3A_6, %dma_wait3A_69] : memref<10000x128xf32, #tpu.memory_space<vmem_shared>> -> memref<632x128xf32, #tpu.memory_space<vmem_shared>>
      %dma_wait3A_71 = arith.constant 0 : i32
      %dma_wait3A_72 = tpu.memref_slice %arg3[%add3A, %dma_wait3A_71] : memref<20000x128xf32, #tpu.memory_space<hbm>> -> memref<632x128xf32, #tpu.memory_space<hbm>>
      tpu.wait_dma2 semaphore(%run_scoped3A : memref<!tpu.dma_semaphore, #tpu.memory_space<semaphore_mem>>) src(%dma_wait3A_72 : memref<632x128xf32, #tpu.memory_space<hbm>>) dst(%dma_wait3A_70 : memref<632x128xf32, #tpu.memory_space<vmem_shared>>)
      tpu.yield
    }) : () -> ()
    %dma_wait3A = tpu.memref_slice %arg2[%mul3A_2] : memref<320000xi32, #tpu.memory_space<hbm>> -> memref<10000xi32, #tpu.memory_space<hbm>>
    %dma_wait3A_7 = tpu.memref_slice %arg2[%mul3A_2] : memref<320000xi32, #tpu.memory_space<hbm>> -> memref<10000xi32, #tpu.memory_space<hbm>>
    tpu.wait_dma2 semaphore(%arg13 : memref<!tpu.dma_semaphore, #tpu.memory_space<semaphore_mem>>) src(%dma_wait3A_7 : memref<10000xi32, #tpu.memory_space<hbm>>) dst(%arg5 : memref<10000xi32, #tpu.memory_space<vmem>>)
    %scan3A = arith.constant 0 : i32
    %scan3A_8 = arith.constant 0 : i32
    %scan3A_9 = arith.constant 625 : i32
    %scan3A_10 = arith.addi %scan3A_8, %scan3A_9 : i32
    %scan3A_11 = arith.constant 1 : i32
    %scan3A_12 = scf.for %scan3A_65 = %scan3A_8 to %scan3A_10 step %scan3A_11 iter_args(%scan3A_66 = %scan3A) -> (i32)  : i32 {
      %mul3A_67 = arith.constant 16 : i32
      %mul3A_68 = arith.muli %scan3A_65, %mul3A_67 : i32
      %get3A = arith.index_cast %mul3A_68 : i32 to index
      %get3A_69 = tpu.vector_load %arg5[%get3A] {strides = array<i32>} : memref<10000xi32, #tpu.memory_space<vmem>>, vector<16xi32>,
      %add3A_70 = vector.broadcast %mul3A_0 : i32 to vector<16xi32>
      %add3A_71 = arith.addi %get3A_69, %add3A_70 : vector<16xi32>
      %swap3A = arith.index_cast %mul3A_68 : i32 to index
      %swap3A_72 = tpu.vector_load %arg5[%swap3A] {strides = array<i32>} : memref<10000xi32, #tpu.memory_space<vmem>>, vector<16xi32>,
      tpu.vector_store %arg5[%swap3A], %add3A_71 {strides = array<i32>} : memref<10000xi32, #tpu.memory_space<vmem>>, vector<16xi32>,
      %scan3A_73 = arith.constant 0 : i32
      scf.yield %scan3A_73 : i32
    }
    %scan3A_13 = arith.constant 625 : i32
    %barrier3A = arith.constant 0 : index
    tpu.barrier barrier_id(%barrier3A)
    %add3A_14 = arith.constant 160000 : i32
    %add3A_15 = arith.addi %add3A_14, %mul3A_2 : i32
    %add3A_16 = arith.constant 0 : i32
    %add3A_17 = arith.addi %add3A_15, %add3A_16 : i32
    %dma_start3A_18 = tpu.memref_slice %arg2[%add3A_17] : memref<320000xi32, #tpu.memory_space<hbm>> -> memref<80xi32, #tpu.memory_space<hbm>>
    %dma_start3A_19 = tpu.memref_slice %arg2[%add3A_17] : memref<320000xi32, #tpu.memory_space<hbm>> -> memref<80xi32, #tpu.memory_space<hbm>>
    tpu.enqueue_dma source(%dma_start3A_19 : memref<80xi32, #tpu.memory_space<hbm>>) target(%arg6 : memref<80xi32, #tpu.memory_space<vmem>>) target_semaphore(%arg20 : memref<!tpu.dma_semaphore, #tpu.memory_space<semaphore_mem>>)
    %dma_start3A_20 = arith.constant 0 : i32
    %dma_start3A_21 = tpu.memref_slice %arg5[%dma_start3A_20] : memref<10000xi32, #tpu.memory_space<vmem>> -> memref<80xi32, #tpu.memory_space<vmem>>
    %dma_start3A_22 = arith.constant 0 : i32
    %dma_start3A_23 = arith.constant 0 : i32
    %dma_start3A_24 = tpu.memref_slice %arg3[%dma_start3A_22, %dma_start3A_23] : memref<20000x128xf32, #tpu.memory_space<hbm>> -> memref<20000x128xf32, #tpu.memory_space<hbm>>
    tpu.enqueue_indirect_dma source(%dma_start3A_24 : memref<20000x128xf32, #tpu.memory_space<hbm>>) target(%arg9 : memref<80x128xf32, #tpu.memory_space<vmem>>) offsets(%dma_start3A_21 : memref<80xi32, #tpu.memory_space<vmem>>) semaphore(%arg14 : memref<!tpu.dma_semaphore, #tpu.memory_space<semaphore_mem>>)
    %add3A_25 = arith.constant 160000 : i32
    %add3A_26 = arith.addi %add3A_25, %mul3A_2 : i32
    %add3A_27 = arith.constant 80 : i32
    %add3A_28 = arith.addi %add3A_26, %add3A_27 : i32
    %dma_start3A_29 = tpu.memref_slice %arg2[%add3A_28] : memref<320000xi32, #tpu.memory_space<hbm>> -> memref<80xi32, #tpu.memory_space<hbm>>
    %dma_start3A_30 = tpu.memref_slice %arg2[%add3A_28] : memref<320000xi32, #tpu.memory_space<hbm>> -> memref<80xi32, #tpu.memory_space<hbm>>
    tpu.enqueue_dma source(%dma_start3A_30 : memref<80xi32, #tpu.memory_space<hbm>>) target(%arg7 : memref<80xi32, #tpu.memory_space<vmem>>) target_semaphore(%arg21 : memref<!tpu.dma_semaphore, #tpu.memory_space<semaphore_mem>>)
    %dma_start3A_31 = arith.constant 80 : i32
    %dma_start3A_32 = tpu.memref_slice %arg5[%dma_start3A_31] : memref<10000xi32, #tpu.memory_space<vmem>> -> memref<80xi32, #tpu.memory_space<vmem>>
    %dma_start3A_33 = arith.constant 0 : i32
    %dma_start3A_34 = arith.constant 0 : i32
    %dma_start3A_35 = tpu.memref_slice %arg3[%dma_start3A_33, %dma_start3A_34] : memref<20000x128xf32, #tpu.memory_space<hbm>> -> memref<20000x128xf32, #tpu.memory_space<hbm>>
    tpu.enqueue_indirect_dma source(%dma_start3A_35 : memref<20000x128xf32, #tpu.memory_space<hbm>>) target(%arg10 : memref<80x128xf32, #tpu.memory_space<vmem>>) offsets(%dma_start3A_32 : memref<80xi32, #tpu.memory_space<vmem>>) semaphore(%arg15 : memref<!tpu.dma_semaphore, #tpu.memory_space<semaphore_mem>>)
    %add3A_36 = arith.constant 160000 : i32
    %add3A_37 = arith.addi %add3A_36, %mul3A_2 : i32
    %add3A_38 = arith.constant 160 : i32
    %add3A_39 = arith.addi %add3A_37, %add3A_38 : i32
    %dma_start3A_40 = tpu.memref_slice %arg2[%add3A_39] : memref<320000xi32, #tpu.memory_space<hbm>> -> memref<80xi32, #tpu.memory_space<hbm>>
    %dma_start3A_41 = tpu.memref_slice %arg2[%add3A_39] : memref<320000xi32, #tpu.memory_space<hbm>> -> memref<80xi32, #tpu.memory_space<hbm>>
    tpu.enqueue_dma source(%dma_start3A_41 : memref<80xi32, #tpu.memory_space<hbm>>) target(%arg8 : memref<80xi32, #tpu.memory_space<vmem>>) target_semaphore(%arg22 : memref<!tpu.dma_semaphore, #tpu.memory_space<semaphore_mem>>)
    %dma_start3A_42 = arith.constant 160 : i32
    %dma_start3A_43 = tpu.memref_slice %arg5[%dma_start3A_42] : memref<10000xi32, #tpu.memory_space<vmem>> -> memref<80xi32, #tpu.memory_space<vmem>>
    %dma_start3A_44 = arith.constant 0 : i32
    %dma_start3A_45 = arith.constant 0 : i32
    %dma_start3A_46 = tpu.memref_slice %arg3[%dma_start3A_44, %dma_start3A_45] : memref<20000x128xf32, #tpu.memory_space<hbm>> -> memref<20000x128xf32, #tpu.memory_space<hbm>>
    tpu.enqueue_indirect_dma source(%dma_start3A_46 : memref<20000x128xf32, #tpu.memory_space<hbm>>) target(%arg11 : memref<80x128xf32, #tpu.memory_space<vmem>>) offsets(%dma_start3A_43 : memref<80xi32, #tpu.memory_space<vmem>>) semaphore(%arg16 : memref<!tpu.dma_semaphore, #tpu.memory_space<semaphore_mem>>)
    %scan3A_47 = arith.constant 0 : i32
    %scan3A_48 = arith.constant 0 : i32
    %scan3A_49 = arith.constant 42 : i32
    %scan3A_50 = arith.addi %scan3A_48, %scan3A_49 : i32
    %scan3A_51 = arith.constant 1 : i32
    %scan3A_52 = scf.for %scan3A_65 = %scan3A_48 to %scan3A_50 step %scan3A_51 iter_args(%scan3A_66 = %scan3A_47) -> (i32)  : i32 {
      %mul3A_67 = arith.constant 3 : i32
      %mul3A_68 = arith.muli %mul3A_67, %scan3A_65 : i32
      %add3A_69 = arith.constant 0 : i32
      %add3A_70 = arith.addi %mul3A_68, %add3A_69 : i32
      %lt3A = arith.constant 125 : i32
      %lt3A_71 = arith.cmpi slt, %add3A_70, %lt3A : i32
      %convert_element_type3A = arith.extui %lt3A_71 : i1 to i32
      %cond3A = arith.constant 0 : i32
      %cond3A_72 = arith.cmpi ne, %convert_element_type3A, %cond3A : i32
      scf.if %cond3A_72 {
        %add3A_113 = arith.constant 160000 : i32
        %add3A_114 = arith.addi %add3A_113, %mul3A_2 : i32
        %mul3A_115 = arith.constant 80 : i32
        %mul3A_116 = arith.muli %add3A_70, %mul3A_115 : i32
        %add3A_117 = arith.addi %add3A_114, %mul3A_116 : i32
        %dma_wait3A_118 = tpu.memref_slice %arg2[%add3A_117] : memref<320000xi32, #tpu.memory_space<hbm>> -> memref<80xi32, #tpu.memory_space<hbm>>
        %dma_wait3A_119 = tpu.memref_slice %arg2[%add3A_117] : memref<320000xi32, #tpu.memory_space<hbm>> -> memref<80xi32, #tpu.memory_space<hbm>>
        tpu.wait_dma2 semaphore(%arg20 : memref<!tpu.dma_semaphore, #tpu.memory_space<semaphore_mem>>) src(%dma_wait3A_119 : memref<80xi32, #tpu.memory_space<hbm>>) dst(%arg6 : memref<80xi32, #tpu.memory_space<vmem>>)
        %mul3A_120 = arith.constant 80 : i32
        %mul3A_121 = arith.muli %add3A_70, %mul3A_120 : i32
        %dma_wait3A_122 = tpu.memref_slice %arg5[%mul3A_121] : memref<10000xi32, #tpu.memory_space<vmem>> -> memref<80xi32, #tpu.memory_space<vmem>>
        %dma_wait3A_123 = arith.constant 0 : i32
        %dma_wait3A_124 = arith.constant 0 : i32
        %dma_wait3A_125 = tpu.memref_slice %arg3[%dma_wait3A_123, %dma_wait3A_124] : memref<20000x128xf32, #tpu.memory_space<hbm>> -> memref<20000x128xf32, #tpu.memory_space<hbm>>
        tpu.wait_indirect_dma semaphore(%arg14 : memref<!tpu.dma_semaphore, #tpu.memory_space<semaphore_mem>>) src(%dma_wait3A_125 : memref<20000x128xf32, #tpu.memory_space<hbm>>) dst(%arg9 : memref<80x128xf32, #tpu.memory_space<vmem>>)
        %dma_start3A_126 = arith.constant 0 : i32
        %dma_start3A_127 = arith.constant 0 : i32
        %dma_start3A_128 = tpu.memref_slice %arg12[%dma_start3A_126, %dma_start3A_127] : memref<10000x128xf32, #tpu.memory_space<vmem_shared>> -> memref<10000x128xf32, #tpu.memory_space<vmem_shared>>
        tpu.enqueue_indirect_dma source(%arg9 : memref<80x128xf32, #tpu.memory_space<vmem>>) target(%dma_start3A_128 : memref<10000x128xf32, #tpu.memory_space<vmem_shared>>) offsets(%arg6 : memref<80xi32, #tpu.memory_space<vmem>>) semaphore(%arg17 : memref<!tpu.dma_semaphore, #tpu.memory_space<semaphore_mem>>) {add = true}
      } else {
      }
      %add3A_73 = arith.constant 3 : i32
      %add3A_74 = arith.addi %add3A_70, %add3A_73 : i32
      %lt3A_75 = arith.constant 125 : i32
      %lt3A_76 = arith.cmpi slt, %add3A_74, %lt3A_75 : i32
      %convert_element_type3A_77 = arith.extui %lt3A_76 : i1 to i32
      %cond3A_78 = arith.constant 0 : i32
      %cond3A_79 = arith.cmpi ne, %convert_element_type3A_77, %cond3A_78 : i32
      scf.if %cond3A_79 {
        %dma_wait3A_113 = arith.constant 0 : i32
        %dma_wait3A_114 = arith.constant 0 : i32
        %dma_wait3A_115 = tpu.memref_slice %arg12[%dma_wait3A_113, %dma_wait3A_114] : memref<10000x128xf32, #tpu.memory_space<vmem_shared>> -> memref<10000x128xf32, #tpu.memory_space<vmem_shared>>
        tpu.wait_indirect_dma semaphore(%arg17 : memref<!tpu.dma_semaphore, #tpu.memory_space<semaphore_mem>>) src(%arg9 : memref<80x128xf32, #tpu.memory_space<vmem>>) dst(%dma_wait3A_115 : memref<10000x128xf32, #tpu.memory_space<vmem_shared>>)
        %add3A_116 = arith.constant 3 : i32
        %add3A_117 = arith.addi %add3A_70, %add3A_116 : i32
        %add3A_118 = arith.constant 160000 : i32
        %add3A_119 = arith.addi %add3A_118, %mul3A_2 : i32
        %mul3A_120 = arith.constant 80 : i32
        %mul3A_121 = arith.muli %add3A_117, %mul3A_120 : i32
        %add3A_122 = arith.addi %add3A_119, %mul3A_121 : i32
        %dma_start3A_123 = tpu.memref_slice %arg2[%add3A_122] : memref<320000xi32, #tpu.memory_space<hbm>> -> memref<80xi32, #tpu.memory_space<hbm>>
        %dma_start3A_124 = tpu.memref_slice %arg2[%add3A_122] : memref<320000xi32, #tpu.memory_space<hbm>> -> memref<80xi32, #tpu.memory_space<hbm>>
        tpu.enqueue_dma source(%dma_start3A_124 : memref<80xi32, #tpu.memory_space<hbm>>) target(%arg6 : memref<80xi32, #tpu.memory_space<vmem>>) target_semaphore(%arg20 : memref<!tpu.dma_semaphore, #tpu.memory_space<semaphore_mem>>)
        %mul3A_125 = arith.constant 80 : i32
        %mul3A_126 = arith.muli %add3A_117, %mul3A_125 : i32
        %dma_start3A_127 = tpu.memref_slice %arg5[%mul3A_126] : memref<10000xi32, #tpu.memory_space<vmem>> -> memref<80xi32, #tpu.memory_space<vmem>>
        %dma_start3A_128 = arith.constant 0 : i32
        %dma_start3A_129 = arith.constant 0 : i32
        %dma_start3A_130 = tpu.memref_slice %arg3[%dma_start3A_128, %dma_start3A_129] : memref<20000x128xf32, #tpu.memory_space<hbm>> -> memref<20000x128xf32, #tpu.memory_space<hbm>>
        tpu.enqueue_indirect_dma source(%dma_start3A_130 : memref<20000x128xf32, #tpu.memory_space<hbm>>) target(%arg9 : memref<80x128xf32, #tpu.memory_space<vmem>>) offsets(%dma_start3A_127 : memref<80xi32, #tpu.memory_space<vmem>>) semaphore(%arg14 : memref<!tpu.dma_semaphore, #tpu.memory_space<semaphore_mem>>)
      } else {
      }
      %mul3A_80 = arith.constant 3 : i32
      %mul3A_81 = arith.muli %mul3A_80, %scan3A_65 : i32
      %add3A_82 = arith.constant 1 : i32
      %add3A_83 = arith.addi %mul3A_81, %add3A_82 : i32
      %lt3A_84 = arith.constant 125 : i32
      %lt3A_85 = arith.cmpi slt, %add3A_83, %lt3A_84 : i32
      %convert_element_type3A_86 = arith.extui %lt3A_85 : i1 to i32
      %cond3A_87 = arith.constant 0 : i32
      %cond3A_88 = arith.cmpi ne, %convert_element_type3A_86, %cond3A_87 : i32
      scf.if %cond3A_88 {
        %add3A_113 = arith.constant 160000 : i32
        %add3A_114 = arith.addi %add3A_113, %mul3A_2 : i32
        %mul3A_115 = arith.constant 80 : i32
        %mul3A_116 = arith.muli %add3A_83, %mul3A_115 : i32
        %add3A_117 = arith.addi %add3A_114, %mul3A_116 : i32
        %dma_wait3A_118 = tpu.memref_slice %arg2[%add3A_117] : memref<320000xi32, #tpu.memory_space<hbm>> -> memref<80xi32, #tpu.memory_space<hbm>>
        %dma_wait3A_119 = tpu.memref_slice %arg2[%add3A_117] : memref<320000xi32, #tpu.memory_space<hbm>> -> memref<80xi32, #tpu.memory_space<hbm>>
        tpu.wait_dma2 semaphore(%arg21 : memref<!tpu.dma_semaphore, #tpu.memory_space<semaphore_mem>>) src(%dma_wait3A_119 : memref<80xi32, #tpu.memory_space<hbm>>) dst(%arg7 : memref<80xi32, #tpu.memory_space<vmem>>)
        %mul3A_120 = arith.constant 80 : i32
        %mul3A_121 = arith.muli %add3A_83, %mul3A_120 : i32
        %dma_wait3A_122 = tpu.memref_slice %arg5[%mul3A_121] : memref<10000xi32, #tpu.memory_space<vmem>> -> memref<80xi32, #tpu.memory_space<vmem>>
        %dma_wait3A_123 = arith.constant 0 : i32
        %dma_wait3A_124 = arith.constant 0 : i32
        %dma_wait3A_125 = tpu.memref_slice %arg3[%dma_wait3A_123, %dma_wait3A_124] : memref<20000x128xf32, #tpu.memory_space<hbm>> -> memref<20000x128xf32, #tpu.memory_space<hbm>>
        tpu.wait_indirect_dma semaphore(%arg15 : memref<!tpu.dma_semaphore, #tpu.memory_space<semaphore_mem>>) src(%dma_wait3A_125 : memref<20000x128xf32, #tpu.memory_space<hbm>>) dst(%arg10 : memref<80x128xf32, #tpu.memory_space<vmem>>)
        %dma_start3A_126 = arith.constant 0 : i32
        %dma_start3A_127 = arith.constant 0 : i32
        %dma_start3A_128 = tpu.memref_slice %arg12[%dma_start3A_126, %dma_start3A_127] : memref<10000x128xf32, #tpu.memory_space<vmem_shared>> -> memref<10000x128xf32, #tpu.memory_space<vmem_shared>>
        tpu.enqueue_indirect_dma source(%arg10 : memref<80x128xf32, #tpu.memory_space<vmem>>) target(%dma_start3A_128 : memref<10000x128xf32, #tpu.memory_space<vmem_shared>>) offsets(%arg7 : memref<80xi32, #tpu.memory_space<vmem>>) semaphore(%arg18 : memref<!tpu.dma_semaphore, #tpu.memory_space<semaphore_mem>>) {add = true}
      } else {
      }
      %add3A_89 = arith.constant 3 : i32
      %add3A_90 = arith.addi %add3A_83, %add3A_89 : i32
      %lt3A_91 = arith.constant 125 : i32
      %lt3A_92 = arith.cmpi slt, %add3A_90, %lt3A_91 : i32
      %convert_element_type3A_93 = arith.extui %lt3A_92 : i1 to i32
      %cond3A_94 = arith.constant 0 : i32
      %cond3A_95 = arith.cmpi ne, %convert_element_type3A_93, %cond3A_94 : i32
      scf.if %cond3A_95 {
        %dma_wait3A_113 = arith.constant 0 : i32
        %dma_wait3A_114 = arith.constant 0 : i32
        %dma_wait3A_115 = tpu.memref_slice %arg12[%dma_wait3A_113, %dma_wait3A_114] : memref<10000x128xf32, #tpu.memory_space<vmem_shared>> -> memref<10000x128xf32, #tpu.memory_space<vmem_shared>>
        tpu.wait_indirect_dma semaphore(%arg18 : memref<!tpu.dma_semaphore, #tpu.memory_space<semaphore_mem>>) src(%arg10 : memref<80x128xf32, #tpu.memory_space<vmem>>) dst(%dma_wait3A_115 : memref<10000x128xf32, #tpu.memory_space<vmem_shared>>)
        %add3A_116 = arith.constant 3 : i32
        %add3A_117 = arith.addi %add3A_83, %add3A_116 : i32
        %add3A_118 = arith.constant 160000 : i32
        %add3A_119 = arith.addi %add3A_118, %mul3A_2 : i32
        %mul3A_120 = arith.constant 80 : i32
        %mul3A_121 = arith.muli %add3A_117, %mul3A_120 : i32
        %add3A_122 = arith.addi %add3A_119, %mul3A_121 : i32
        %dma_start3A_123 = tpu.memref_slice %arg2[%add3A_122] : memref<320000xi32, #tpu.memory_space<hbm>> -> memref<80xi32, #tpu.memory_space<hbm>>
        %dma_start3A_124 = tpu.memref_slice %arg2[%add3A_122] : memref<320000xi32, #tpu.memory_space<hbm>> -> memref<80xi32, #tpu.memory_space<hbm>>
        tpu.enqueue_dma source(%dma_start3A_124 : memref<80xi32, #tpu.memory_space<hbm>>) target(%arg7 : memref<80xi32, #tpu.memory_space<vmem>>) target_semaphore(%arg21 : memref<!tpu.dma_semaphore, #tpu.memory_space<semaphore_mem>>)
        %mul3A_125 = arith.constant 80 : i32
        %mul3A_126 = arith.muli %add3A_117, %mul3A_125 : i32
        %dma_start3A_127 = tpu.memref_slice %arg5[%mul3A_126] : memref<10000xi32, #tpu.memory_space<vmem>> -> memref<80xi32, #tpu.memory_space<vmem>>
        %dma_start3A_128 = arith.constant 0 : i32
        %dma_start3A_129 = arith.constant 0 : i32
        %dma_start3A_130 = tpu.memref_slice %arg3[%dma_start3A_128, %dma_start3A_129] : memref<20000x128xf32, #tpu.memory_space<hbm>> -> memref<20000x128xf32, #tpu.memory_space<hbm>>
        tpu.enqueue_indirect_dma source(%dma_start3A_130 : memref<20000x128xf32, #tpu.memory_space<hbm>>) target(%arg10 : memref<80x128xf32, #tpu.memory_space<vmem>>) offsets(%dma_start3A_127 : memref<80xi32, #tpu.memory_space<vmem>>) semaphore(%arg15 : memref<!tpu.dma_semaphore, #tpu.memory_space<semaphore_mem>>)
      } else {
      }
      %mul3A_96 = arith.constant 3 : i32
      %mul3A_97 = arith.muli %mul3A_96, %scan3A_65 : i32
      %add3A_98 = arith.constant 2 : i32
      %add3A_99 = arith.addi %mul3A_97, %add3A_98 : i32
      %lt3A_100 = arith.constant 125 : i32
      %lt3A_101 = arith.cmpi slt, %add3A_99, %lt3A_100 : i32
      %convert_element_type3A_102 = arith.extui %lt3A_101 : i1 to i32
      %cond3A_103 = arith.constant 0 : i32
      %cond3A_104 = arith.cmpi ne, %convert_element_type3A_102, %cond3A_103 : i32
      scf.if %cond3A_104 {
        %add3A_113 = arith.constant 160000 : i32
        %add3A_114 = arith.addi %add3A_113, %mul3A_2 : i32
        %mul3A_115 = arith.constant 80 : i32
        %mul3A_116 = arith.muli %add3A_99, %mul3A_115 : i32
        %add3A_117 = arith.addi %add3A_114, %mul3A_116 : i32
        %dma_wait3A_118 = tpu.memref_slice %arg2[%add3A_117] : memref<320000xi32, #tpu.memory_space<hbm>> -> memref<80xi32, #tpu.memory_space<hbm>>
        %dma_wait3A_119 = tpu.memref_slice %arg2[%add3A_117] : memref<320000xi32, #tpu.memory_space<hbm>> -> memref<80xi32, #tpu.memory_space<hbm>>
        tpu.wait_dma2 semaphore(%arg22 : memref<!tpu.dma_semaphore, #tpu.memory_space<semaphore_mem>>) src(%dma_wait3A_119 : memref<80xi32, #tpu.memory_space<hbm>>) dst(%arg8 : memref<80xi32, #tpu.memory_space<vmem>>)
        %mul3A_120 = arith.constant 80 : i32
        %mul3A_121 = arith.muli %add3A_99, %mul3A_120 : i32
        %dma_wait3A_122 = tpu.memref_slice %arg5[%mul3A_121] : memref<10000xi32, #tpu.memory_space<vmem>> -> memref<80xi32, #tpu.memory_space<vmem>>
        %dma_wait3A_123 = arith.constant 0 : i32
        %dma_wait3A_124 = arith.constant 0 : i32
        %dma_wait3A_125 = tpu.memref_slice %arg3[%dma_wait3A_123, %dma_wait3A_124] : memref<20000x128xf32, #tpu.memory_space<hbm>> -> memref<20000x128xf32, #tpu.memory_space<hbm>>
        tpu.wait_indirect_dma semaphore(%arg16 : memref<!tpu.dma_semaphore, #tpu.memory_space<semaphore_mem>>) src(%dma_wait3A_125 : memref<20000x128xf32, #tpu.memory_space<hbm>>) dst(%arg11 : memref<80x128xf32, #tpu.memory_space<vmem>>)
        %dma_start3A_126 = arith.constant 0 : i32
        %dma_start3A_127 = arith.constant 0 : i32
        %dma_start3A_128 = tpu.memref_slice %arg12[%dma_start3A_126, %dma_start3A_127] : memref<10000x128xf32, #tpu.memory_space<vmem_shared>> -> memref<10000x128xf32, #tpu.memory_space<vmem_shared>>
        tpu.enqueue_indirect_dma source(%arg11 : memref<80x128xf32, #tpu.memory_space<vmem>>) target(%dma_start3A_128 : memref<10000x128xf32, #tpu.memory_space<vmem_shared>>) offsets(%arg8 : memref<80xi32, #tpu.memory_space<vmem>>) semaphore(%arg19 : memref<!tpu.dma_semaphore, #tpu.memory_space<semaphore_mem>>) {add = true}
      } else {
      }
      %add3A_105 = arith.constant 3 : i32
      %add3A_106 = arith.addi %add3A_99, %add3A_105 : i32
      %lt3A_107 = arith.constant 125 : i32
      %lt3A_108 = arith.cmpi slt, %add3A_106, %lt3A_107 : i32
      %convert_element_type3A_109 = arith.extui %lt3A_108 : i1 to i32
      %cond3A_110 = arith.constant 0 : i32
      %cond3A_111 = arith.cmpi ne, %convert_element_type3A_109, %cond3A_110 : i32
      scf.if %cond3A_111 {
        %dma_wait3A_113 = arith.constant 0 : i32
        %dma_wait3A_114 = arith.constant 0 : i32
        %dma_wait3A_115 = tpu.memref_slice %arg12[%dma_wait3A_113, %dma_wait3A_114] : memref<10000x128xf32, #tpu.memory_space<vmem_shared>> -> memref<10000x128xf32, #tpu.memory_space<vmem_shared>>
        tpu.wait_indirect_dma semaphore(%arg19 : memref<!tpu.dma_semaphore, #tpu.memory_space<semaphore_mem>>) src(%arg11 : memref<80x128xf32, #tpu.memory_space<vmem>>) dst(%dma_wait3A_115 : memref<10000x128xf32, #tpu.memory_space<vmem_shared>>)
        %add3A_116 = arith.constant 3 : i32
        %add3A_117 = arith.addi %add3A_99, %add3A_116 : i32
        %add3A_118 = arith.constant 160000 : i32
        %add3A_119 = arith.addi %add3A_118, %mul3A_2 : i32
        %mul3A_120 = arith.constant 80 : i32
        %mul3A_121 = arith.muli %add3A_117, %mul3A_120 : i32
        %add3A_122 = arith.addi %add3A_119, %mul3A_121 : i32
        %dma_start3A_123 = tpu.memref_slice %arg2[%add3A_122] : memref<320000xi32, #tpu.memory_space<hbm>> -> memref<80xi32, #tpu.memory_space<hbm>>
        %dma_start3A_124 = tpu.memref_slice %arg2[%add3A_122] : memref<320000xi32, #tpu.memory_space<hbm>> -> memref<80xi32, #tpu.memory_space<hbm>>
        tpu.enqueue_dma source(%dma_start3A_124 : memref<80xi32, #tpu.memory_space<hbm>>) target(%arg8 : memref<80xi32, #tpu.memory_space<vmem>>) target_semaphore(%arg22 : memref<!tpu.dma_semaphore, #tpu.memory_space<semaphore_mem>>)
        %mul3A_125 = arith.constant 80 : i32
        %mul3A_126 = arith.muli %add3A_117, %mul3A_125 : i32
        %dma_start3A_127 = tpu.memref_slice %arg5[%mul3A_126] : memref<10000xi32, #tpu.memory_space<vmem>> -> memref<80xi32, #tpu.memory_space<vmem>>
        %dma_start3A_128 = arith.constant 0 : i32
        %dma_start3A_129 = arith.constant 0 : i32
        %dma_start3A_130 = tpu.memref_slice %arg3[%dma_start3A_128, %dma_start3A_129] : memref<20000x128xf32, #tpu.memory_space<hbm>> -> memref<20000x128xf32, #tpu.memory_space<hbm>>
        tpu.enqueue_indirect_dma source(%dma_start3A_130 : memref<20000x128xf32, #tpu.memory_space<hbm>>) target(%arg11 : memref<80x128xf32, #tpu.memory_space<vmem>>) offsets(%dma_start3A_127 : memref<80xi32, #tpu.memory_space<vmem>>) semaphore(%arg16 : memref<!tpu.dma_semaphore, #tpu.memory_space<semaphore_mem>>)
      } else {
      }
      %scan3A_112 = arith.constant 0 : i32
      scf.yield %scan3A_112 : i32
    }
    %scan3A_53 = arith.constant 42 : i32
    %dma_wait3A_54 = arith.constant 0 : i32
    %dma_wait3A_55 = arith.constant 0 : i32
    %dma_wait3A_56 = tpu.memref_slice %arg12[%dma_wait3A_54, %dma_wait3A_55] : memref<10000x128xf32, #tpu.memory_space<vmem_shared>> -> memref<10000x128xf32, #tpu.memory_space<vmem_shared>>
    tpu.wait_indirect_dma semaphore(%arg17 : memref<!tpu.dma_semaphore, #tpu.memory_space<semaphore_mem>>) src(%arg9 : memref<80x128xf32, #tpu.memory_space<vmem>>) dst(%dma_wait3A_56 : memref<10000x128xf32, #tpu.memory_space<vmem_shared>>)
    %dma_wait3A_57 = arith.constant 0 : i32
    %dma_wait3A_58 = arith.constant 0 : i32
    %dma_wait3A_59 = tpu.memref_slice %arg12[%dma_wait3A_57, %dma_wait3A_58] : memref<10000x128xf32, #tpu.memory_space<vmem_shared>> -> memref<10000x128xf32, #tpu.memory_space<vmem_shared>>
    tpu.wait_indirect_dma semaphore(%arg18 : memref<!tpu.dma_semaphore, #tpu.memory_space<semaphore_mem>>) src(%arg10 : memref<80x128xf32, #tpu.memory_space<vmem>>) dst(%dma_wait3A_59 : memref<10000x128xf32, #tpu.memory_space<vmem_shared>>)
    %dma_wait3A_60 = arith.constant 0 : i32
    %dma_wait3A_61 = arith.constant 0 : i32
    %dma_wait3A_62 = tpu.memref_slice %arg12[%dma_wait3A_60, %dma_wait3A_61] : memref<10000x128xf32, #tpu.memory_space<vmem_shared>> -> memref<10000x128xf32, #tpu.memory_space<vmem_shared>>
    tpu.wait_indirect_dma semaphore(%arg19 : memref<!tpu.dma_semaphore, #tpu.memory_space<semaphore_mem>>) src(%arg11 : memref<80x128xf32, #tpu.memory_space<vmem>>) dst(%dma_wait3A_62 : memref<10000x128xf32, #tpu.memory_space<vmem_shared>>)
    %barrier3A_63 = arith.constant 0 : index
    tpu.barrier barrier_id(%barrier3A_63)
    %add3A_64 = arith.addi %mul3A_0, %min3A_6 : i32
    "tpu.region"() ({
      %run_scoped3A = tpu.sem_alloc : memref<!tpu.dma_semaphore, #tpu.memory_space<semaphore_mem>>
      %dma_start3A_65 = arith.constant 0 : i32
      %dma_start3A_66 = tpu.memref_slice %arg4[%add3A_64, %dma_start3A_65] : memref<20000x128xf32, #tpu.memory_space<hbm>> -> memref<632x128xf32, #tpu.memory_space<hbm>>
      %dma_start3A_67 = arith.constant 0 : i32
      %dma_start3A_68 = tpu.memref_slice %arg12[%min3A_6, %dma_start3A_67] : memref<10000x128xf32, #tpu.memory_space<vmem_shared>> -> memref<632x128xf32, #tpu.memory_space<vmem_shared>>
      tpu.enqueue_dma source(%dma_start3A_68 : memref<632x128xf32, #tpu.memory_space<vmem_shared>>) target(%dma_start3A_66 : memref<632x128xf32, #tpu.memory_space<hbm>>) target_semaphore(%run_scoped3A : memref<!tpu.dma_semaphore, #tpu.memory_space<semaphore_mem>>)
      %dma_wait3A_69 = arith.constant 0 : i32
      %dma_wait3A_70 = tpu.memref_slice %arg4[%add3A_64, %dma_wait3A_69] : memref<20000x128xf32, #tpu.memory_space<hbm>> -> memref<632x128xf32, #tpu.memory_space<hbm>>
      %dma_wait3A_71 = arith.constant 0 : i32
      %dma_wait3A_72 = tpu.memref_slice %arg12[%min3A_6, %dma_wait3A_71] : memref<10000x128xf32, #tpu.memory_space<vmem_shared>> -> memref<632x128xf32, #tpu.memory_space<vmem_shared>>
      tpu.wait_dma2 semaphore(%run_scoped3A : memref<!tpu.dma_semaphore, #tpu.memory_space<semaphore_mem>>) src(%dma_wait3A_72 : memref<632x128xf32, #tpu.memory_space<vmem_shared>>) dst(%dma_wait3A_70 : memref<632x128xf32, #tpu.memory_space<hbm>>)
      tpu.yield
    }) : () -> ()
    return
  }
}

#map = affine_map<(d0, d1) -> (0)>
#map1 = affine_map<(d0, d1) -> (0, 0)>
module attributes {stable_mosaic.version = 14 : i64} {
  func.func @_agg_body(%arg0: i32, %arg1: i32, %arg2: memref<320000xi32, #tpu.memory_space<hbm>>, %arg3: memref<20000x128xf32, #tpu.memory_space<hbm>>, %arg4: memref<20000x128xf32, #tpu.memory_space<hbm>>, %arg5: memref<10000xi32, #tpu.memory_space<vmem>>, %arg6: memref<80xi32, #tpu.memory_space<vmem>>, %arg7: memref<80xi32, #tpu.memory_space<vmem>>, %arg8: memref<80xi32, #tpu.memory_space<vmem>>, %arg9: memref<80x128xf32, #tpu.memory_space<vmem>>, %arg10: memref<80x128xf32, #tpu.memory_space<vmem>>, %arg11: memref<80x128xf32, #tpu.memory_space<vmem>>, %arg12: memref<10000x128xf32, #tpu.memory_space<vmem_shared>>, %arg13: memref<!tpu.dma_semaphore, #tpu.memory_space<semaphore_mem>>, %arg14: memref<!tpu.dma_semaphore, #tpu.memory_space<semaphore_mem>>, %arg15: memref<!tpu.dma_semaphore, #tpu.memory_space<semaphore_mem>>, %arg16: memref<!tpu.dma_semaphore, #tpu.memory_space<semaphore_mem>>, %arg17: memref<!tpu.dma_semaphore, #tpu.memory_space<semaphore_mem>>, %arg18: memref<!tpu.dma_semaphore, #tpu.memory_space<semaphore_mem>>, %arg19: memref<!tpu.dma_semaphore, #tpu.memory_space<semaphore_mem>>, %arg20: memref<!tpu.dma_semaphore, #tpu.memory_space<semaphore_mem>>, %arg21: memref<!tpu.dma_semaphore, #tpu.memory_space<semaphore_mem>>, %arg22: memref<!tpu.dma_semaphore, #tpu.memory_space<semaphore_mem>>) attributes {dimension_semantics = [#tpu.dimension_semantics<core_parallel>, #tpu.dimension_semantics<subcore_parallel>], iteration_bounds = array<i64: 2, 16>, scalar_prefetch = 0 : i64, scratch_operands = 18 : i64, tpu.core_type = #tpu.core_type<sc_vector_subcore>, window_params = [{transform_indices = #map}, {transform_indices = #map1}, {transform_indices = #map1}]} {
    %mul3A = arith.constant 10000 : i32
    %mul3A_0 = arith.muli %arg0, %mul3A : i32
    %mul3A_1 = arith.constant 10000 : i32
    %mul3A_2 = arith.muli %arg1, %mul3A_1 : i32
    %dma_start3A = tpu.memref_slice %arg2[%mul3A_2] : memref<320000xi32, #tpu.memory_space<hbm>> -> memref<10000xi32, #tpu.memory_space<hbm>>
    %dma_start3A_3 = tpu.memref_slice %arg2[%mul3A_2] : memref<320000xi32, #tpu.memory_space<hbm>> -> memref<10000xi32, #tpu.memory_space<hbm>>
    tpu.enqueue_dma source(%dma_start3A_3 : memref<10000xi32, #tpu.memory_space<hbm>>) target(%arg5 : memref<10000xi32, #tpu.memory_space<vmem>>) target_semaphore(%arg13 : memref<!tpu.dma_semaphore, #tpu.memory_space<semaphore_mem>>)
    %mul3A_4 = arith.constant 632 : i32
    %mul3A_5 = arith.muli %arg1, %mul3A_4 : i32
    %min3A = arith.constant 9368 : i32
    %min3A_6 = arith.minsi %mul3A_5, %min3A : i32
    %add3A = arith.addi %mul3A_0, %min3A_6 : i32
    "tpu.region"() ({
      %run_scoped3A = tpu.sem_alloc : memref<!tpu.dma_semaphore, #tpu.memory_space<semaphore_mem>>
      %dma_start3A_65 = arith.constant 0 : i32
      %dma_start3A_66 = tpu.memref_slice %arg12[%min3A_6, %dma_start3A_65] : memref<10000x128xf32, #tpu.memory_space<vmem_shared>> -> memref<632x128xf32, #tpu.memory_space<vmem_shared>>
      %dma_start3A_67 = arith.constant 0 : i32
      %dma_start3A_68 = tpu.memref_slice %arg3[%add3A, %dma_start3A_67] : memref<20000x128xf32, #tpu.memory_space<hbm>> -> memref<632x128xf32, #tpu.memory_space<hbm>>
      tpu.enqueue_dma source(%dma_start3A_68 : memref<632x128xf32, #tpu.memory_space<hbm>>) target(%dma_start3A_66 : memref<632x128xf32, #tpu.memory_space<vmem_shared>>) target_semaphore(%run_scoped3A : memref<!tpu.dma_semaphore, #tpu.memory_space<semaphore_mem>>)
      %dma_wait3A_69 = arith.constant 0 : i32
      %dma_wait3A_70 = tpu.memref_slice %arg12[%min3A_6, %dma_wait3A_69] : memref<10000x128xf32, #tpu.memory_space<vmem_shared>> -> memref<632x128xf32, #tpu.memory_space<vmem_shared>>
      %dma_wait3A_71 = arith.constant 0 : i32
      %dma_wait3A_72 = tpu.memref_slice %arg3[%add3A, %dma_wait3A_71] : memref<20000x128xf32, #tpu.memory_space<hbm>> -> memref<632x128xf32, #tpu.memory_space<hbm>>
      tpu.wait_dma2 semaphore(%run_scoped3A : memref<!tpu.dma_semaphore, #tpu.memory_space<semaphore_mem>>) src(%dma_wait3A_72 : memref<632x128xf32, #tpu.memory_space<hbm>>) dst(%dma_wait3A_70 : memref<632x128xf32, #tpu.memory_space<vmem_shared>>)
      tpu.yield
    }) : () -> ()
    %dma_wait3A = tpu.memref_slice %arg2[%mul3A_2] : memref<320000xi32, #tpu.memory_space<hbm>> -> memref<10000xi32, #tpu.memory_space<hbm>>
    %dma_wait3A_7 = tpu.memref_slice %arg2[%mul3A_2] : memref<320000xi32, #tpu.memory_space<hbm>> -> memref<10000xi32, #tpu.memory_space<hbm>>
    tpu.wait_dma2 semaphore(%arg13 : memref<!tpu.dma_semaphore, #tpu.memory_space<semaphore_mem>>) src(%dma_wait3A_7 : memref<10000xi32, #tpu.memory_space<hbm>>) dst(%arg5 : memref<10000xi32, #tpu.memory_space<vmem>>)
    %scan3A = arith.constant 0 : i32
    %scan3A_8 = arith.constant 0 : i32
    %scan3A_9 = arith.constant 625 : i32
    %scan3A_10 = arith.addi %scan3A_8, %scan3A_9 : i32
    %scan3A_11 = arith.constant 1 : i32
    %scan3A_12 = scf.for %scan3A_65 = %scan3A_8 to %scan3A_10 step %scan3A_11 iter_args(%scan3A_66 = %scan3A) -> (i32)  : i32 {
      %mul3A_67 = arith.constant 16 : i32
      %mul3A_68 = arith.muli %scan3A_65, %mul3A_67 : i32
      %get3A = arith.index_cast %mul3A_68 : i32 to index
      %get3A_69 = tpu.vector_load %arg5[%get3A] {strides = array<i32>} : memref<10000xi32, #tpu.memory_space<vmem>>, vector<16xi32>,
      %add3A_70 = vector.broadcast %mul3A_0 : i32 to vector<16xi32>
      %add3A_71 = arith.addi %get3A_69, %add3A_70 : vector<16xi32>
      %swap3A = arith.index_cast %mul3A_68 : i32 to index
      %swap3A_72 = tpu.vector_load %arg5[%swap3A] {strides = array<i32>} : memref<10000xi32, #tpu.memory_space<vmem>>, vector<16xi32>,
      tpu.vector_store %arg5[%swap3A], %add3A_71 {strides = array<i32>} : memref<10000xi32, #tpu.memory_space<vmem>>, vector<16xi32>,
      %scan3A_73 = arith.constant 0 : i32
      scf.yield %scan3A_73 : i32
    }
    %scan3A_13 = arith.constant 625 : i32
    %barrier3A = arith.constant 0 : index
    tpu.barrier barrier_id(%barrier3A)
    %add3A_14 = arith.constant 160000 : i32
    %add3A_15 = arith.addi %add3A_14, %mul3A_2 : i32
    %add3A_16 = arith.constant 0 : i32
    %add3A_17 = arith.addi %add3A_15, %add3A_16 : i32
    %dma_start3A_18 = tpu.memref_slice %arg2[%add3A_17] : memref<320000xi32, #tpu.memory_space<hbm>> -> memref<80xi32, #tpu.memory_space<hbm>>
    %dma_start3A_19 = tpu.memref_slice %arg2[%add3A_17] : memref<320000xi32, #tpu.memory_space<hbm>> -> memref<80xi32, #tpu.memory_space<hbm>>
    tpu.enqueue_dma source(%dma_start3A_19 : memref<80xi32, #tpu.memory_space<hbm>>) target(%arg6 : memref<80xi32, #tpu.memory_space<vmem>>) target_semaphore(%arg20 : memref<!tpu.dma_semaphore, #tpu.memory_space<semaphore_mem>>)
    %dma_start3A_20 = arith.constant 0 : i32
    %dma_start3A_21 = tpu.memref_slice %arg5[%dma_start3A_20] : memref<10000xi32, #tpu.memory_space<vmem>> -> memref<80xi32, #tpu.memory_space<vmem>>
    %dma_start3A_22 = arith.constant 0 : i32
    %dma_start3A_23 = arith.constant 0 : i32
    %dma_start3A_24 = tpu.memref_slice %arg3[%dma_start3A_22, %dma_start3A_23] : memref<20000x128xf32, #tpu.memory_space<hbm>> -> memref<20000x128xf32, #tpu.memory_space<hbm>>
    tpu.enqueue_indirect_dma source(%dma_start3A_24 : memref<20000x128xf32, #tpu.memory_space<hbm>>) target(%arg9 : memref<80x128xf32, #tpu.memory_space<vmem>>) offsets(%dma_start3A_21 : memref<80xi32, #tpu.memory_space<vmem>>) semaphore(%arg14 : memref<!tpu.dma_semaphore, #tpu.memory_space<semaphore_mem>>)
    %add3A_25 = arith.constant 160000 : i32
    %add3A_26 = arith.addi %add3A_25, %mul3A_2 : i32
    %add3A_27 = arith.constant 80 : i32
    %add3A_28 = arith.addi %add3A_26, %add3A_27 : i32
    %dma_start3A_29 = tpu.memref_slice %arg2[%add3A_28] : memref<320000xi32, #tpu.memory_space<hbm>> -> memref<80xi32, #tpu.memory_space<hbm>>
    %dma_start3A_30 = tpu.memref_slice %arg2[%add3A_28] : memref<320000xi32, #tpu.memory_space<hbm>> -> memref<80xi32, #tpu.memory_space<hbm>>
    tpu.enqueue_dma source(%dma_start3A_30 : memref<80xi32, #tpu.memory_space<hbm>>) target(%arg7 : memref<80xi32, #tpu.memory_space<vmem>>) target_semaphore(%arg21 : memref<!tpu.dma_semaphore, #tpu.memory_space<semaphore_mem>>)
    %dma_start3A_31 = arith.constant 80 : i32
    %dma_start3A_32 = tpu.memref_slice %arg5[%dma_start3A_31] : memref<10000xi32, #tpu.memory_space<vmem>> -> memref<80xi32, #tpu.memory_space<vmem>>
    %dma_start3A_33 = arith.constant 0 : i32
    %dma_start3A_34 = arith.constant 0 : i32
    %dma_start3A_35 = tpu.memref_slice %arg3[%dma_start3A_33, %dma_start3A_34] : memref<20000x128xf32, #tpu.memory_space<hbm>> -> memref<20000x128xf32, #tpu.memory_space<hbm>>
    tpu.enqueue_indirect_dma source(%dma_start3A_35 : memref<20000x128xf32, #tpu.memory_space<hbm>>) target(%arg10 : memref<80x128xf32, #tpu.memory_space<vmem>>) offsets(%dma_start3A_32 : memref<80xi32, #tpu.memory_space<vmem>>) semaphore(%arg15 : memref<!tpu.dma_semaphore, #tpu.memory_space<semaphore_mem>>)
    %add3A_36 = arith.constant 160000 : i32
    %add3A_37 = arith.addi %add3A_36, %mul3A_2 : i32
    %add3A_38 = arith.constant 160 : i32
    %add3A_39 = arith.addi %add3A_37, %add3A_38 : i32
    %dma_start3A_40 = tpu.memref_slice %arg2[%add3A_39] : memref<320000xi32, #tpu.memory_space<hbm>> -> memref<80xi32, #tpu.memory_space<hbm>>
    %dma_start3A_41 = tpu.memref_slice %arg2[%add3A_39] : memref<320000xi32, #tpu.memory_space<hbm>> -> memref<80xi32, #tpu.memory_space<hbm>>
    tpu.enqueue_dma source(%dma_start3A_41 : memref<80xi32, #tpu.memory_space<hbm>>) target(%arg8 : memref<80xi32, #tpu.memory_space<vmem>>) target_semaphore(%arg22 : memref<!tpu.dma_semaphore, #tpu.memory_space<semaphore_mem>>)
    %dma_start3A_42 = arith.constant 160 : i32
    %dma_start3A_43 = tpu.memref_slice %arg5[%dma_start3A_42] : memref<10000xi32, #tpu.memory_space<vmem>> -> memref<80xi32, #tpu.memory_space<vmem>>
    %dma_start3A_44 = arith.constant 0 : i32
    %dma_start3A_45 = arith.constant 0 : i32
    %dma_start3A_46 = tpu.memref_slice %arg3[%dma_start3A_44, %dma_start3A_45] : memref<20000x128xf32, #tpu.memory_space<hbm>> -> memref<20000x128xf32, #tpu.memory_space<hbm>>
    tpu.enqueue_indirect_dma source(%dma_start3A_46 : memref<20000x128xf32, #tpu.memory_space<hbm>>) target(%arg11 : memref<80x128xf32, #tpu.memory_space<vmem>>) offsets(%dma_start3A_43 : memref<80xi32, #tpu.memory_space<vmem>>) semaphore(%arg16 : memref<!tpu.dma_semaphore, #tpu.memory_space<semaphore_mem>>)
    %scan3A_47 = arith.constant 0 : i32
    %scan3A_48 = arith.constant 0 : i32
    %scan3A_49 = arith.constant 42 : i32
    %scan3A_50 = arith.addi %scan3A_48, %scan3A_49 : i32
    %scan3A_51 = arith.constant 1 : i32
    %scan3A_52 = scf.for %scan3A_65 = %scan3A_48 to %scan3A_50 step %scan3A_51 iter_args(%scan3A_66 = %scan3A_47) -> (i32)  : i32 {
      %mul3A_67 = arith.constant 3 : i32
      %mul3A_68 = arith.muli %mul3A_67, %scan3A_65 : i32
      %add3A_69 = arith.constant 0 : i32
      %add3A_70 = arith.addi %mul3A_68, %add3A_69 : i32
      %lt3A = arith.constant 125 : i32
      %lt3A_71 = arith.cmpi slt, %add3A_70, %lt3A : i32
      %convert_element_type3A = arith.extui %lt3A_71 : i1 to i32
      %cond3A = arith.constant 0 : i32
      %cond3A_72 = arith.cmpi ne, %convert_element_type3A, %cond3A : i32
      scf.if %cond3A_72 {
        %add3A_113 = arith.constant 160000 : i32
        %add3A_114 = arith.addi %add3A_113, %mul3A_2 : i32
        %mul3A_115 = arith.constant 80 : i32
        %mul3A_116 = arith.muli %add3A_70, %mul3A_115 : i32
        %add3A_117 = arith.addi %add3A_114, %mul3A_116 : i32
        %dma_wait3A_118 = tpu.memref_slice %arg2[%add3A_117] : memref<320000xi32, #tpu.memory_space<hbm>> -> memref<80xi32, #tpu.memory_space<hbm>>
        %dma_wait3A_119 = tpu.memref_slice %arg2[%add3A_117] : memref<320000xi32, #tpu.memory_space<hbm>> -> memref<80xi32, #tpu.memory_space<hbm>>
        tpu.wait_dma2 semaphore(%arg20 : memref<!tpu.dma_semaphore, #tpu.memory_space<semaphore_mem>>) src(%dma_wait3A_119 : memref<80xi32, #tpu.memory_space<hbm>>) dst(%arg6 : memref<80xi32, #tpu.memory_space<vmem>>)
        %mul3A_120 = arith.constant 80 : i32
        %mul3A_121 = arith.muli %add3A_70, %mul3A_120 : i32
        %dma_wait3A_122 = tpu.memref_slice %arg5[%mul3A_121] : memref<10000xi32, #tpu.memory_space<vmem>> -> memref<80xi32, #tpu.memory_space<vmem>>
        %dma_wait3A_123 = arith.constant 0 : i32
        %dma_wait3A_124 = arith.constant 0 : i32
        %dma_wait3A_125 = tpu.memref_slice %arg3[%dma_wait3A_123, %dma_wait3A_124] : memref<20000x128xf32, #tpu.memory_space<hbm>> -> memref<20000x128xf32, #tpu.memory_space<hbm>>
        tpu.wait_indirect_dma semaphore(%arg14 : memref<!tpu.dma_semaphore, #tpu.memory_space<semaphore_mem>>) src(%dma_wait3A_125 : memref<20000x128xf32, #tpu.memory_space<hbm>>) dst(%arg9 : memref<80x128xf32, #tpu.memory_space<vmem>>)
        %dma_start3A_126 = arith.constant 0 : i32
        %dma_start3A_127 = arith.constant 0 : i32
        %dma_start3A_128 = tpu.memref_slice %arg12[%dma_start3A_126, %dma_start3A_127] : memref<10000x128xf32, #tpu.memory_space<vmem_shared>> -> memref<10000x128xf32, #tpu.memory_space<vmem_shared>>
        tpu.enqueue_indirect_dma source(%arg9 : memref<80x128xf32, #tpu.memory_space<vmem>>) target(%dma_start3A_128 : memref<10000x128xf32, #tpu.memory_space<vmem_shared>>) offsets(%arg6 : memref<80xi32, #tpu.memory_space<vmem>>) semaphore(%arg17 : memref<!tpu.dma_semaphore, #tpu.memory_space<semaphore_mem>>) {add = true}
      } else {
      }
      %add3A_73 = arith.constant 3 : i32
      %add3A_74 = arith.addi %add3A_70, %add3A_73 : i32
      %lt3A_75 = arith.constant 125 : i32
      %lt3A_76 = arith.cmpi slt, %add3A_74, %lt3A_75 : i32
      %convert_element_type3A_77 = arith.extui %lt3A_76 : i1 to i32
      %cond3A_78 = arith.constant 0 : i32
      %cond3A_79 = arith.cmpi ne, %convert_element_type3A_77, %cond3A_78 : i32
      scf.if %cond3A_79 {
        %dma_wait3A_113 = arith.constant 0 : i32
        %dma_wait3A_114 = arith.constant 0 : i32
        %dma_wait3A_115 = tpu.memref_slice %arg12[%dma_wait3A_113, %dma_wait3A_114] : memref<10000x128xf32, #tpu.memory_space<vmem_shared>> -> memref<10000x128xf32, #tpu.memory_space<vmem_shared>>
        tpu.wait_indirect_dma semaphore(%arg17 : memref<!tpu.dma_semaphore, #tpu.memory_space<semaphore_mem>>) src(%arg9 : memref<80x128xf32, #tpu.memory_space<vmem>>) dst(%dma_wait3A_115 : memref<10000x128xf32, #tpu.memory_space<vmem_shared>>)
        %add3A_116 = arith.constant 3 : i32
        %add3A_117 = arith.addi %add3A_70, %add3A_116 : i32
        %add3A_118 = arith.constant 160000 : i32
        %add3A_119 = arith.addi %add3A_118, %mul3A_2 : i32
        %mul3A_120 = arith.constant 80 : i32
        %mul3A_121 = arith.muli %add3A_117, %mul3A_120 : i32
        %add3A_122 = arith.addi %add3A_119, %mul3A_121 : i32
        %dma_start3A_123 = tpu.memref_slice %arg2[%add3A_122] : memref<320000xi32, #tpu.memory_space<hbm>> -> memref<80xi32, #tpu.memory_space<hbm>>
        %dma_start3A_124 = tpu.memref_slice %arg2[%add3A_122] : memref<320000xi32, #tpu.memory_space<hbm>> -> memref<80xi32, #tpu.memory_space<hbm>>
        tpu.enqueue_dma source(%dma_start3A_124 : memref<80xi32, #tpu.memory_space<hbm>>) target(%arg6 : memref<80xi32, #tpu.memory_space<vmem>>) target_semaphore(%arg20 : memref<!tpu.dma_semaphore, #tpu.memory_space<semaphore_mem>>)
        %mul3A_125 = arith.constant 80 : i32
        %mul3A_126 = arith.muli %add3A_117, %mul3A_125 : i32
        %dma_start3A_127 = tpu.memref_slice %arg5[%mul3A_126] : memref<10000xi32, #tpu.memory_space<vmem>> -> memref<80xi32, #tpu.memory_space<vmem>>
        %dma_start3A_128 = arith.constant 0 : i32
        %dma_start3A_129 = arith.constant 0 : i32
        %dma_start3A_130 = tpu.memref_slice %arg3[%dma_start3A_128, %dma_start3A_129] : memref<20000x128xf32, #tpu.memory_space<hbm>> -> memref<20000x128xf32, #tpu.memory_space<hbm>>
        tpu.enqueue_indirect_dma source(%dma_start3A_130 : memref<20000x128xf32, #tpu.memory_space<hbm>>) target(%arg9 : memref<80x128xf32, #tpu.memory_space<vmem>>) offsets(%dma_start3A_127 : memref<80xi32, #tpu.memory_space<vmem>>) semaphore(%arg14 : memref<!tpu.dma_semaphore, #tpu.memory_space<semaphore_mem>>)
      } else {
      }
      %mul3A_80 = arith.constant 3 : i32
      %mul3A_81 = arith.muli %mul3A_80, %scan3A_65 : i32
      %add3A_82 = arith.constant 1 : i32
      %add3A_83 = arith.addi %mul3A_81, %add3A_82 : i32
      %lt3A_84 = arith.constant 125 : i32
      %lt3A_85 = arith.cmpi slt, %add3A_83, %lt3A_84 : i32
      %convert_element_type3A_86 = arith.extui %lt3A_85 : i1 to i32
      %cond3A_87 = arith.constant 0 : i32
      %cond3A_88 = arith.cmpi ne, %convert_element_type3A_86, %cond3A_87 : i32
      scf.if %cond3A_88 {
        %add3A_113 = arith.constant 160000 : i32
        %add3A_114 = arith.addi %add3A_113, %mul3A_2 : i32
        %mul3A_115 = arith.constant 80 : i32
        %mul3A_116 = arith.muli %add3A_83, %mul3A_115 : i32
        %add3A_117 = arith.addi %add3A_114, %mul3A_116 : i32
        %dma_wait3A_118 = tpu.memref_slice %arg2[%add3A_117] : memref<320000xi32, #tpu.memory_space<hbm>> -> memref<80xi32, #tpu.memory_space<hbm>>
        %dma_wait3A_119 = tpu.memref_slice %arg2[%add3A_117] : memref<320000xi32, #tpu.memory_space<hbm>> -> memref<80xi32, #tpu.memory_space<hbm>>
        tpu.wait_dma2 semaphore(%arg21 : memref<!tpu.dma_semaphore, #tpu.memory_space<semaphore_mem>>) src(%dma_wait3A_119 : memref<80xi32, #tpu.memory_space<hbm>>) dst(%arg7 : memref<80xi32, #tpu.memory_space<vmem>>)
        %mul3A_120 = arith.constant 80 : i32
        %mul3A_121 = arith.muli %add3A_83, %mul3A_120 : i32
        %dma_wait3A_122 = tpu.memref_slice %arg5[%mul3A_121] : memref<10000xi32, #tpu.memory_space<vmem>> -> memref<80xi32, #tpu.memory_space<vmem>>
        %dma_wait3A_123 = arith.constant 0 : i32
        %dma_wait3A_124 = arith.constant 0 : i32
        %dma_wait3A_125 = tpu.memref_slice %arg3[%dma_wait3A_123, %dma_wait3A_124] : memref<20000x128xf32, #tpu.memory_space<hbm>> -> memref<20000x128xf32, #tpu.memory_space<hbm>>
        tpu.wait_indirect_dma semaphore(%arg15 : memref<!tpu.dma_semaphore, #tpu.memory_space<semaphore_mem>>) src(%dma_wait3A_125 : memref<20000x128xf32, #tpu.memory_space<hbm>>) dst(%arg10 : memref<80x128xf32, #tpu.memory_space<vmem>>)
        %dma_start3A_126 = arith.constant 0 : i32
        %dma_start3A_127 = arith.constant 0 : i32
        %dma_start3A_128 = tpu.memref_slice %arg12[%dma_start3A_126, %dma_start3A_127] : memref<10000x128xf32, #tpu.memory_space<vmem_shared>> -> memref<10000x128xf32, #tpu.memory_space<vmem_shared>>
        tpu.enqueue_indirect_dma source(%arg10 : memref<80x128xf32, #tpu.memory_space<vmem>>) target(%dma_start3A_128 : memref<10000x128xf32, #tpu.memory_space<vmem_shared>>) offsets(%arg7 : memref<80xi32, #tpu.memory_space<vmem>>) semaphore(%arg18 : memref<!tpu.dma_semaphore, #tpu.memory_space<semaphore_mem>>) {add = true}
      } else {
      }
      %add3A_89 = arith.constant 3 : i32
      %add3A_90 = arith.addi %add3A_83, %add3A_89 : i32
      %lt3A_91 = arith.constant 125 : i32
      %lt3A_92 = arith.cmpi slt, %add3A_90, %lt3A_91 : i32
      %convert_element_type3A_93 = arith.extui %lt3A_92 : i1 to i32
      %cond3A_94 = arith.constant 0 : i32
      %cond3A_95 = arith.cmpi ne, %convert_element_type3A_93, %cond3A_94 : i32
      scf.if %cond3A_95 {
        %dma_wait3A_113 = arith.constant 0 : i32
        %dma_wait3A_114 = arith.constant 0 : i32
        %dma_wait3A_115 = tpu.memref_slice %arg12[%dma_wait3A_113, %dma_wait3A_114] : memref<10000x128xf32, #tpu.memory_space<vmem_shared>> -> memref<10000x128xf32, #tpu.memory_space<vmem_shared>>
        tpu.wait_indirect_dma semaphore(%arg18 : memref<!tpu.dma_semaphore, #tpu.memory_space<semaphore_mem>>) src(%arg10 : memref<80x128xf32, #tpu.memory_space<vmem>>) dst(%dma_wait3A_115 : memref<10000x128xf32, #tpu.memory_space<vmem_shared>>)
        %add3A_116 = arith.constant 3 : i32
        %add3A_117 = arith.addi %add3A_83, %add3A_116 : i32
        %add3A_118 = arith.constant 160000 : i32
        %add3A_119 = arith.addi %add3A_118, %mul3A_2 : i32
        %mul3A_120 = arith.constant 80 : i32
        %mul3A_121 = arith.muli %add3A_117, %mul3A_120 : i32
        %add3A_122 = arith.addi %add3A_119, %mul3A_121 : i32
        %dma_start3A_123 = tpu.memref_slice %arg2[%add3A_122] : memref<320000xi32, #tpu.memory_space<hbm>> -> memref<80xi32, #tpu.memory_space<hbm>>
        %dma_start3A_124 = tpu.memref_slice %arg2[%add3A_122] : memref<320000xi32, #tpu.memory_space<hbm>> -> memref<80xi32, #tpu.memory_space<hbm>>
        tpu.enqueue_dma source(%dma_start3A_124 : memref<80xi32, #tpu.memory_space<hbm>>) target(%arg7 : memref<80xi32, #tpu.memory_space<vmem>>) target_semaphore(%arg21 : memref<!tpu.dma_semaphore, #tpu.memory_space<semaphore_mem>>)
        %mul3A_125 = arith.constant 80 : i32
        %mul3A_126 = arith.muli %add3A_117, %mul3A_125 : i32
        %dma_start3A_127 = tpu.memref_slice %arg5[%mul3A_126] : memref<10000xi32, #tpu.memory_space<vmem>> -> memref<80xi32, #tpu.memory_space<vmem>>
        %dma_start3A_128 = arith.constant 0 : i32
        %dma_start3A_129 = arith.constant 0 : i32
        %dma_start3A_130 = tpu.memref_slice %arg3[%dma_start3A_128, %dma_start3A_129] : memref<20000x128xf32, #tpu.memory_space<hbm>> -> memref<20000x128xf32, #tpu.memory_space<hbm>>
        tpu.enqueue_indirect_dma source(%dma_start3A_130 : memref<20000x128xf32, #tpu.memory_space<hbm>>) target(%arg10 : memref<80x128xf32, #tpu.memory_space<vmem>>) offsets(%dma_start3A_127 : memref<80xi32, #tpu.memory_space<vmem>>) semaphore(%arg15 : memref<!tpu.dma_semaphore, #tpu.memory_space<semaphore_mem>>)
      } else {
      }
      %mul3A_96 = arith.constant 3 : i32
      %mul3A_97 = arith.muli %mul3A_96, %scan3A_65 : i32
      %add3A_98 = arith.constant 2 : i32
      %add3A_99 = arith.addi %mul3A_97, %add3A_98 : i32
      %lt3A_100 = arith.constant 125 : i32
      %lt3A_101 = arith.cmpi slt, %add3A_99, %lt3A_100 : i32
      %convert_element_type3A_102 = arith.extui %lt3A_101 : i1 to i32
      %cond3A_103 = arith.constant 0 : i32
      %cond3A_104 = arith.cmpi ne, %convert_element_type3A_102, %cond3A_103 : i32
      scf.if %cond3A_104 {
        %add3A_113 = arith.constant 160000 : i32
        %add3A_114 = arith.addi %add3A_113, %mul3A_2 : i32
        %mul3A_115 = arith.constant 80 : i32
        %mul3A_116 = arith.muli %add3A_99, %mul3A_115 : i32
        %add3A_117 = arith.addi %add3A_114, %mul3A_116 : i32
        %dma_wait3A_118 = tpu.memref_slice %arg2[%add3A_117] : memref<320000xi32, #tpu.memory_space<hbm>> -> memref<80xi32, #tpu.memory_space<hbm>>
        %dma_wait3A_119 = tpu.memref_slice %arg2[%add3A_117] : memref<320000xi32, #tpu.memory_space<hbm>> -> memref<80xi32, #tpu.memory_space<hbm>>
        tpu.wait_dma2 semaphore(%arg22 : memref<!tpu.dma_semaphore, #tpu.memory_space<semaphore_mem>>) src(%dma_wait3A_119 : memref<80xi32, #tpu.memory_space<hbm>>) dst(%arg8 : memref<80xi32, #tpu.memory_space<vmem>>)
        %mul3A_120 = arith.constant 80 : i32
        %mul3A_121 = arith.muli %add3A_99, %mul3A_120 : i32
        %dma_wait3A_122 = tpu.memref_slice %arg5[%mul3A_121] : memref<10000xi32, #tpu.memory_space<vmem>> -> memref<80xi32, #tpu.memory_space<vmem>>
        %dma_wait3A_123 = arith.constant 0 : i32
        %dma_wait3A_124 = arith.constant 0 : i32
        %dma_wait3A_125 = tpu.memref_slice %arg3[%dma_wait3A_123, %dma_wait3A_124] : memref<20000x128xf32, #tpu.memory_space<hbm>> -> memref<20000x128xf32, #tpu.memory_space<hbm>>
        tpu.wait_indirect_dma semaphore(%arg16 : memref<!tpu.dma_semaphore, #tpu.memory_space<semaphore_mem>>) src(%dma_wait3A_125 : memref<20000x128xf32, #tpu.memory_space<hbm>>) dst(%arg11 : memref<80x128xf32, #tpu.memory_space<vmem>>)
        %dma_start3A_126 = arith.constant 0 : i32
        %dma_start3A_127 = arith.constant 0 : i32
        %dma_start3A_128 = tpu.memref_slice %arg12[%dma_start3A_126, %dma_start3A_127] : memref<10000x128xf32, #tpu.memory_space<vmem_shared>> -> memref<10000x128xf32, #tpu.memory_space<vmem_shared>>
        tpu.enqueue_indirect_dma source(%arg11 : memref<80x128xf32, #tpu.memory_space<vmem>>) target(%dma_start3A_128 : memref<10000x128xf32, #tpu.memory_space<vmem_shared>>) offsets(%arg8 : memref<80xi32, #tpu.memory_space<vmem>>) semaphore(%arg19 : memref<!tpu.dma_semaphore, #tpu.memory_space<semaphore_mem>>) {add = true}
      } else {
      }
      %add3A_105 = arith.constant 3 : i32
      %add3A_106 = arith.addi %add3A_99, %add3A_105 : i32
      %lt3A_107 = arith.constant 125 : i32
      %lt3A_108 = arith.cmpi slt, %add3A_106, %lt3A_107 : i32
      %convert_element_type3A_109 = arith.extui %lt3A_108 : i1 to i32
      %cond3A_110 = arith.constant 0 : i32
      %cond3A_111 = arith.cmpi ne, %convert_element_type3A_109, %cond3A_110 : i32
      scf.if %cond3A_111 {
        %dma_wait3A_113 = arith.constant 0 : i32
        %dma_wait3A_114 = arith.constant 0 : i32
        %dma_wait3A_115 = tpu.memref_slice %arg12[%dma_wait3A_113, %dma_wait3A_114] : memref<10000x128xf32, #tpu.memory_space<vmem_shared>> -> memref<10000x128xf32, #tpu.memory_space<vmem_shared>>
        tpu.wait_indirect_dma semaphore(%arg19 : memref<!tpu.dma_semaphore, #tpu.memory_space<semaphore_mem>>) src(%arg11 : memref<80x128xf32, #tpu.memory_space<vmem>>) dst(%dma_wait3A_115 : memref<10000x128xf32, #tpu.memory_space<vmem_shared>>)
        %add3A_116 = arith.constant 3 : i32
        %add3A_117 = arith.addi %add3A_99, %add3A_116 : i32
        %add3A_118 = arith.constant 160000 : i32
        %add3A_119 = arith.addi %add3A_118, %mul3A_2 : i32
        %mul3A_120 = arith.constant 80 : i32
        %mul3A_121 = arith.muli %add3A_117, %mul3A_120 : i32
        %add3A_122 = arith.addi %add3A_119, %mul3A_121 : i32
        %dma_start3A_123 = tpu.memref_slice %arg2[%add3A_122] : memref<320000xi32, #tpu.memory_space<hbm>> -> memref<80xi32, #tpu.memory_space<hbm>>
        %dma_start3A_124 = tpu.memref_slice %arg2[%add3A_122] : memref<320000xi32, #tpu.memory_space<hbm>> -> memref<80xi32, #tpu.memory_space<hbm>>
        tpu.enqueue_dma source(%dma_start3A_124 : memref<80xi32, #tpu.memory_space<hbm>>) target(%arg8 : memref<80xi32, #tpu.memory_space<vmem>>) target_semaphore(%arg22 : memref<!tpu.dma_semaphore, #tpu.memory_space<semaphore_mem>>)
        %mul3A_125 = arith.constant 80 : i32
        %mul3A_126 = arith.muli %add3A_117, %mul3A_125 : i32
        %dma_start3A_127 = tpu.memref_slice %arg5[%mul3A_126] : memref<10000xi32, #tpu.memory_space<vmem>> -> memref<80xi32, #tpu.memory_space<vmem>>
        %dma_start3A_128 = arith.constant 0 : i32
        %dma_start3A_129 = arith.constant 0 : i32
        %dma_start3A_130 = tpu.memref_slice %arg3[%dma_start3A_128, %dma_start3A_129] : memref<20000x128xf32, #tpu.memory_space<hbm>> -> memref<20000x128xf32, #tpu.memory_space<hbm>>
        tpu.enqueue_indirect_dma source(%dma_start3A_130 : memref<20000x128xf32, #tpu.memory_space<hbm>>) target(%arg11 : memref<80x128xf32, #tpu.memory_space<vmem>>) offsets(%dma_start3A_127 : memref<80xi32, #tpu.memory_space<vmem>>) semaphore(%arg16 : memref<!tpu.dma_semaphore, #tpu.memory_space<semaphore_mem>>)
      } else {
      }
      %scan3A_112 = arith.constant 0 : i32
      scf.yield %scan3A_112 : i32
    }
    %scan3A_53 = arith.constant 42 : i32
    %dma_wait3A_54 = arith.constant 0 : i32
    %dma_wait3A_55 = arith.constant 0 : i32
    %dma_wait3A_56 = tpu.memref_slice %arg12[%dma_wait3A_54, %dma_wait3A_55] : memref<10000x128xf32, #tpu.memory_space<vmem_shared>> -> memref<10000x128xf32, #tpu.memory_space<vmem_shared>>
    tpu.wait_indirect_dma semaphore(%arg17 : memref<!tpu.dma_semaphore, #tpu.memory_space<semaphore_mem>>) src(%arg9 : memref<80x128xf32, #tpu.memory_space<vmem>>) dst(%dma_wait3A_56 : memref<10000x128xf32, #tpu.memory_space<vmem_shared>>)
    %dma_wait3A_57 = arith.constant 0 : i32
    %dma_wait3A_58 = arith.constant 0 : i32
    %dma_wait3A_59 = tpu.memref_slice %arg12[%dma_wait3A_57, %dma_wait3A_58] : memref<10000x128xf32, #tpu.memory_space<vmem_shared>> -> memref<10000x128xf32, #tpu.memory_space<vmem_shared>>
    tpu.wait_indirect_dma semaphore(%arg18 : memref<!tpu.dma_semaphore, #tpu.memory_space<semaphore_mem>>) src(%arg10 : memref<80x128xf32, #tpu.memory_space<vmem>>) dst(%dma_wait3A_59 : memref<10000x128xf32, #tpu.memory_space<vmem_shared>>)
    %dma_wait3A_60 = arith.constant 0 : i32
    %dma_wait3A_61 = arith.constant 0 : i32
    %dma_wait3A_62 = tpu.memref_slice %arg12[%dma_wait3A_60, %dma_wait3A_61] : memref<10000x128xf32, #tpu.memory_space<vmem_shared>> -> memref<10000x128xf32, #tpu.memory_space<vmem_shared>>
    tpu.wait_indirect_dma semaphore(%arg19 : memref<!tpu.dma_semaphore, #tpu.memory_space<semaphore_mem>>) src(%arg11 : memref<80x128xf32, #tpu.memory_space<vmem>>) dst(%dma_wait3A_62 : memref<10000x128xf32, #tpu.memory_space<vmem_shared>>)
    %barrier3A_63 = arith.constant 0 : index
    tpu.barrier barrier_id(%barrier3A_63)
    %add3A_64 = arith.addi %mul3A_0, %min3A_6 : i32
    "tpu.region"() ({
      %run_scoped3A = tpu.sem_alloc : memref<!tpu.dma_semaphore, #tpu.memory_space<semaphore_mem>>
      %dma_start3A_65 = arith.constant 0 : i32
      %dma_start3A_66 = tpu.memref_slice %arg4[%add3A_64, %dma_start3A_65] : memref<20000x128xf32, #tpu.memory_space<hbm>> -> memref<632x128xf32, #tpu.memory_space<hbm>>
      %dma_start3A_67 = arith.constant 0 : i32
      %dma_start3A_68 = tpu.memref_slice %arg12[%min3A_6, %dma_start3A_67] : memref<10000x128xf32, #tpu.memory_space<vmem_shared>> -> memref<632x128xf32, #tpu.memory_space<vmem_shared>>
      tpu.enqueue_dma source(%dma_start3A_68 : memref<632x128xf32, #tpu.memory_space<vmem_shared>>) target(%dma_start3A_66 : memref<632x128xf32, #tpu.memory_space<hbm>>) target_semaphore(%run_scoped3A : memref<!tpu.dma_semaphore, #tpu.memory_space<semaphore_mem>>)
      %dma_wait3A_69 = arith.constant 0 : i32
      %dma_wait3A_70 = tpu.memref_slice %arg4[%add3A_64, %dma_wait3A_69] : memref<20000x128xf32, #tpu.memory_space<hbm>> -> memref<632x128xf32, #tpu.memory_space<hbm>>
      %dma_wait3A_71 = arith.constant 0 : i32
      %dma_wait3A_72 = tpu.memref_slice %arg12[%min3A_6, %dma_wait3A_71] : memref<10000x128xf32, #tpu.memory_space<vmem_shared>> -> memref<632x128xf32, #tpu.memory_space<vmem_shared>>
      tpu.wait_dma2 semaphore(%run_scoped3A : memref<!tpu.dma_semaphore, #tpu.memory_space<semaphore_mem>>) src(%dma_wait3A_72 : memref<632x128xf32, #tpu.memory_space<vmem_shared>>) dst(%dma_wait3A_70 : memref<632x128xf32, #tpu.memory_space<hbm>>)
      tpu.yield
    }) : () -> ()
    return
  }
}

#map = affine_map<(d0, d1) -> (0)>
#map1 = affine_map<(d0, d1) -> (0, 0)>
module attributes {stable_mosaic.version = 14 : i64} {
  func.func @_agg_body(%arg0: i32, %arg1: i32, %arg2: memref<320000xi32, #tpu.memory_space<hbm>>, %arg3: memref<20000x128xf32, #tpu.memory_space<hbm>>, %arg4: memref<20000x128xf32, #tpu.memory_space<hbm>>, %arg5: memref<10000xi32, #tpu.memory_space<vmem>>, %arg6: memref<80xi32, #tpu.memory_space<vmem>>, %arg7: memref<80xi32, #tpu.memory_space<vmem>>, %arg8: memref<80xi32, #tpu.memory_space<vmem>>, %arg9: memref<80x128xf32, #tpu.memory_space<vmem>>, %arg10: memref<80x128xf32, #tpu.memory_space<vmem>>, %arg11: memref<80x128xf32, #tpu.memory_space<vmem>>, %arg12: memref<10000x128xf32, #tpu.memory_space<vmem_shared>>, %arg13: memref<!tpu.dma_semaphore, #tpu.memory_space<semaphore_mem>>, %arg14: memref<!tpu.dma_semaphore, #tpu.memory_space<semaphore_mem>>, %arg15: memref<!tpu.dma_semaphore, #tpu.memory_space<semaphore_mem>>, %arg16: memref<!tpu.dma_semaphore, #tpu.memory_space<semaphore_mem>>, %arg17: memref<!tpu.dma_semaphore, #tpu.memory_space<semaphore_mem>>, %arg18: memref<!tpu.dma_semaphore, #tpu.memory_space<semaphore_mem>>, %arg19: memref<!tpu.dma_semaphore, #tpu.memory_space<semaphore_mem>>, %arg20: memref<!tpu.dma_semaphore, #tpu.memory_space<semaphore_mem>>, %arg21: memref<!tpu.dma_semaphore, #tpu.memory_space<semaphore_mem>>, %arg22: memref<!tpu.dma_semaphore, #tpu.memory_space<semaphore_mem>>) attributes {dimension_semantics = [#tpu.dimension_semantics<core_parallel>, #tpu.dimension_semantics<subcore_parallel>], iteration_bounds = array<i64: 2, 16>, scalar_prefetch = 0 : i64, scratch_operands = 18 : i64, tpu.core_type = #tpu.core_type<sc_vector_subcore>, window_params = [{transform_indices = #map}, {transform_indices = #map1}, {transform_indices = #map1}]} {
    %mul3A = arith.constant 10000 : i32
    %mul3A_0 = arith.muli %arg0, %mul3A : i32
    %mul3A_1 = arith.constant 10000 : i32
    %mul3A_2 = arith.muli %arg1, %mul3A_1 : i32
    %dma_start3A = tpu.memref_slice %arg2[%mul3A_2] : memref<320000xi32, #tpu.memory_space<hbm>> -> memref<10000xi32, #tpu.memory_space<hbm>>
    %dma_start3A_3 = tpu.memref_slice %arg2[%mul3A_2] : memref<320000xi32, #tpu.memory_space<hbm>> -> memref<10000xi32, #tpu.memory_space<hbm>>
    tpu.enqueue_dma source(%dma_start3A_3 : memref<10000xi32, #tpu.memory_space<hbm>>) target(%arg5 : memref<10000xi32, #tpu.memory_space<vmem>>) target_semaphore(%arg13 : memref<!tpu.dma_semaphore, #tpu.memory_space<semaphore_mem>>)
    %mul3A_4 = arith.constant 632 : i32
    %mul3A_5 = arith.muli %arg1, %mul3A_4 : i32
    %min3A = arith.constant 9368 : i32
    %min3A_6 = arith.minsi %mul3A_5, %min3A : i32
    %add3A = arith.addi %mul3A_0, %min3A_6 : i32
    "tpu.region"() ({
      %run_scoped3A = tpu.sem_alloc : memref<!tpu.dma_semaphore, #tpu.memory_space<semaphore_mem>>
      %dma_start3A_65 = arith.constant 0 : i32
      %dma_start3A_66 = tpu.memref_slice %arg12[%min3A_6, %dma_start3A_65] : memref<10000x128xf32, #tpu.memory_space<vmem_shared>> -> memref<632x128xf32, #tpu.memory_space<vmem_shared>>
      %dma_start3A_67 = arith.constant 0 : i32
      %dma_start3A_68 = tpu.memref_slice %arg3[%add3A, %dma_start3A_67] : memref<20000x128xf32, #tpu.memory_space<hbm>> -> memref<632x128xf32, #tpu.memory_space<hbm>>
      tpu.enqueue_dma source(%dma_start3A_68 : memref<632x128xf32, #tpu.memory_space<hbm>>) target(%dma_start3A_66 : memref<632x128xf32, #tpu.memory_space<vmem_shared>>) target_semaphore(%run_scoped3A : memref<!tpu.dma_semaphore, #tpu.memory_space<semaphore_mem>>)
      %dma_wait3A_69 = arith.constant 0 : i32
      %dma_wait3A_70 = tpu.memref_slice %arg12[%min3A_6, %dma_wait3A_69] : memref<10000x128xf32, #tpu.memory_space<vmem_shared>> -> memref<632x128xf32, #tpu.memory_space<vmem_shared>>
      %dma_wait3A_71 = arith.constant 0 : i32
      %dma_wait3A_72 = tpu.memref_slice %arg3[%add3A, %dma_wait3A_71] : memref<20000x128xf32, #tpu.memory_space<hbm>> -> memref<632x128xf32, #tpu.memory_space<hbm>>
      tpu.wait_dma2 semaphore(%run_scoped3A : memref<!tpu.dma_semaphore, #tpu.memory_space<semaphore_mem>>) src(%dma_wait3A_72 : memref<632x128xf32, #tpu.memory_space<hbm>>) dst(%dma_wait3A_70 : memref<632x128xf32, #tpu.memory_space<vmem_shared>>)
      tpu.yield
    }) : () -> ()
    %dma_wait3A = tpu.memref_slice %arg2[%mul3A_2] : memref<320000xi32, #tpu.memory_space<hbm>> -> memref<10000xi32, #tpu.memory_space<hbm>>
    %dma_wait3A_7 = tpu.memref_slice %arg2[%mul3A_2] : memref<320000xi32, #tpu.memory_space<hbm>> -> memref<10000xi32, #tpu.memory_space<hbm>>
    tpu.wait_dma2 semaphore(%arg13 : memref<!tpu.dma_semaphore, #tpu.memory_space<semaphore_mem>>) src(%dma_wait3A_7 : memref<10000xi32, #tpu.memory_space<hbm>>) dst(%arg5 : memref<10000xi32, #tpu.memory_space<vmem>>)
    %scan3A = arith.constant 0 : i32
    %scan3A_8 = arith.constant 0 : i32
    %scan3A_9 = arith.constant 625 : i32
    %scan3A_10 = arith.addi %scan3A_8, %scan3A_9 : i32
    %scan3A_11 = arith.constant 1 : i32
    %scan3A_12 = scf.for %scan3A_65 = %scan3A_8 to %scan3A_10 step %scan3A_11 iter_args(%scan3A_66 = %scan3A) -> (i32)  : i32 {
      %mul3A_67 = arith.constant 16 : i32
      %mul3A_68 = arith.muli %scan3A_65, %mul3A_67 : i32
      %get3A = arith.index_cast %mul3A_68 : i32 to index
      %get3A_69 = tpu.vector_load %arg5[%get3A] {strides = array<i32>} : memref<10000xi32, #tpu.memory_space<vmem>>, vector<16xi32>,
      %add3A_70 = vector.broadcast %mul3A_0 : i32 to vector<16xi32>
      %add3A_71 = arith.addi %get3A_69, %add3A_70 : vector<16xi32>
      %swap3A = arith.index_cast %mul3A_68 : i32 to index
      %swap3A_72 = tpu.vector_load %arg5[%swap3A] {strides = array<i32>} : memref<10000xi32, #tpu.memory_space<vmem>>, vector<16xi32>,
      tpu.vector_store %arg5[%swap3A], %add3A_71 {strides = array<i32>} : memref<10000xi32, #tpu.memory_space<vmem>>, vector<16xi32>,
      %scan3A_73 = arith.constant 0 : i32
      scf.yield %scan3A_73 : i32
    }
    %scan3A_13 = arith.constant 625 : i32
    %barrier3A = arith.constant 0 : index
    tpu.barrier barrier_id(%barrier3A)
    %add3A_14 = arith.constant 160000 : i32
    %add3A_15 = arith.addi %add3A_14, %mul3A_2 : i32
    %add3A_16 = arith.constant 0 : i32
    %add3A_17 = arith.addi %add3A_15, %add3A_16 : i32
    %dma_start3A_18 = tpu.memref_slice %arg2[%add3A_17] : memref<320000xi32, #tpu.memory_space<hbm>> -> memref<80xi32, #tpu.memory_space<hbm>>
    %dma_start3A_19 = tpu.memref_slice %arg2[%add3A_17] : memref<320000xi32, #tpu.memory_space<hbm>> -> memref<80xi32, #tpu.memory_space<hbm>>
    tpu.enqueue_dma source(%dma_start3A_19 : memref<80xi32, #tpu.memory_space<hbm>>) target(%arg6 : memref<80xi32, #tpu.memory_space<vmem>>) target_semaphore(%arg20 : memref<!tpu.dma_semaphore, #tpu.memory_space<semaphore_mem>>)
    %dma_start3A_20 = arith.constant 0 : i32
    %dma_start3A_21 = tpu.memref_slice %arg5[%dma_start3A_20] : memref<10000xi32, #tpu.memory_space<vmem>> -> memref<80xi32, #tpu.memory_space<vmem>>
    %dma_start3A_22 = arith.constant 0 : i32
    %dma_start3A_23 = arith.constant 0 : i32
    %dma_start3A_24 = tpu.memref_slice %arg3[%dma_start3A_22, %dma_start3A_23] : memref<20000x128xf32, #tpu.memory_space<hbm>> -> memref<20000x128xf32, #tpu.memory_space<hbm>>
    tpu.enqueue_indirect_dma source(%dma_start3A_24 : memref<20000x128xf32, #tpu.memory_space<hbm>>) target(%arg9 : memref<80x128xf32, #tpu.memory_space<vmem>>) offsets(%dma_start3A_21 : memref<80xi32, #tpu.memory_space<vmem>>) semaphore(%arg14 : memref<!tpu.dma_semaphore, #tpu.memory_space<semaphore_mem>>)
    %add3A_25 = arith.constant 160000 : i32
    %add3A_26 = arith.addi %add3A_25, %mul3A_2 : i32
    %add3A_27 = arith.constant 80 : i32
    %add3A_28 = arith.addi %add3A_26, %add3A_27 : i32
    %dma_start3A_29 = tpu.memref_slice %arg2[%add3A_28] : memref<320000xi32, #tpu.memory_space<hbm>> -> memref<80xi32, #tpu.memory_space<hbm>>
    %dma_start3A_30 = tpu.memref_slice %arg2[%add3A_28] : memref<320000xi32, #tpu.memory_space<hbm>> -> memref<80xi32, #tpu.memory_space<hbm>>
    tpu.enqueue_dma source(%dma_start3A_30 : memref<80xi32, #tpu.memory_space<hbm>>) target(%arg7 : memref<80xi32, #tpu.memory_space<vmem>>) target_semaphore(%arg21 : memref<!tpu.dma_semaphore, #tpu.memory_space<semaphore_mem>>)
    %dma_start3A_31 = arith.constant 80 : i32
    %dma_start3A_32 = tpu.memref_slice %arg5[%dma_start3A_31] : memref<10000xi32, #tpu.memory_space<vmem>> -> memref<80xi32, #tpu.memory_space<vmem>>
    %dma_start3A_33 = arith.constant 0 : i32
    %dma_start3A_34 = arith.constant 0 : i32
    %dma_start3A_35 = tpu.memref_slice %arg3[%dma_start3A_33, %dma_start3A_34] : memref<20000x128xf32, #tpu.memory_space<hbm>> -> memref<20000x128xf32, #tpu.memory_space<hbm>>
    tpu.enqueue_indirect_dma source(%dma_start3A_35 : memref<20000x128xf32, #tpu.memory_space<hbm>>) target(%arg10 : memref<80x128xf32, #tpu.memory_space<vmem>>) offsets(%dma_start3A_32 : memref<80xi32, #tpu.memory_space<vmem>>) semaphore(%arg15 : memref<!tpu.dma_semaphore, #tpu.memory_space<semaphore_mem>>)
    %add3A_36 = arith.constant 160000 : i32
    %add3A_37 = arith.addi %add3A_36, %mul3A_2 : i32
    %add3A_38 = arith.constant 160 : i32
    %add3A_39 = arith.addi %add3A_37, %add3A_38 : i32
    %dma_start3A_40 = tpu.memref_slice %arg2[%add3A_39] : memref<320000xi32, #tpu.memory_space<hbm>> -> memref<80xi32, #tpu.memory_space<hbm>>
    %dma_start3A_41 = tpu.memref_slice %arg2[%add3A_39] : memref<320000xi32, #tpu.memory_space<hbm>> -> memref<80xi32, #tpu.memory_space<hbm>>
    tpu.enqueue_dma source(%dma_start3A_41 : memref<80xi32, #tpu.memory_space<hbm>>) target(%arg8 : memref<80xi32, #tpu.memory_space<vmem>>) target_semaphore(%arg22 : memref<!tpu.dma_semaphore, #tpu.memory_space<semaphore_mem>>)
    %dma_start3A_42 = arith.constant 160 : i32
    %dma_start3A_43 = tpu.memref_slice %arg5[%dma_start3A_42] : memref<10000xi32, #tpu.memory_space<vmem>> -> memref<80xi32, #tpu.memory_space<vmem>>
    %dma_start3A_44 = arith.constant 0 : i32
    %dma_start3A_45 = arith.constant 0 : i32
    %dma_start3A_46 = tpu.memref_slice %arg3[%dma_start3A_44, %dma_start3A_45] : memref<20000x128xf32, #tpu.memory_space<hbm>> -> memref<20000x128xf32, #tpu.memory_space<hbm>>
    tpu.enqueue_indirect_dma source(%dma_start3A_46 : memref<20000x128xf32, #tpu.memory_space<hbm>>) target(%arg11 : memref<80x128xf32, #tpu.memory_space<vmem>>) offsets(%dma_start3A_43 : memref<80xi32, #tpu.memory_space<vmem>>) semaphore(%arg16 : memref<!tpu.dma_semaphore, #tpu.memory_space<semaphore_mem>>)
    %scan3A_47 = arith.constant 0 : i32
    %scan3A_48 = arith.constant 0 : i32
    %scan3A_49 = arith.constant 42 : i32
    %scan3A_50 = arith.addi %scan3A_48, %scan3A_49 : i32
    %scan3A_51 = arith.constant 1 : i32
    %scan3A_52 = scf.for %scan3A_65 = %scan3A_48 to %scan3A_50 step %scan3A_51 iter_args(%scan3A_66 = %scan3A_47) -> (i32)  : i32 {
      %mul3A_67 = arith.constant 3 : i32
      %mul3A_68 = arith.muli %mul3A_67, %scan3A_65 : i32
      %add3A_69 = arith.constant 0 : i32
      %add3A_70 = arith.addi %mul3A_68, %add3A_69 : i32
      %lt3A = arith.constant 125 : i32
      %lt3A_71 = arith.cmpi slt, %add3A_70, %lt3A : i32
      %convert_element_type3A = arith.extui %lt3A_71 : i1 to i32
      %cond3A = arith.constant 0 : i32
      %cond3A_72 = arith.cmpi ne, %convert_element_type3A, %cond3A : i32
      scf.if %cond3A_72 {
        %add3A_113 = arith.constant 160000 : i32
        %add3A_114 = arith.addi %add3A_113, %mul3A_2 : i32
        %mul3A_115 = arith.constant 80 : i32
        %mul3A_116 = arith.muli %add3A_70, %mul3A_115 : i32
        %add3A_117 = arith.addi %add3A_114, %mul3A_116 : i32
        %dma_wait3A_118 = tpu.memref_slice %arg2[%add3A_117] : memref<320000xi32, #tpu.memory_space<hbm>> -> memref<80xi32, #tpu.memory_space<hbm>>
        %dma_wait3A_119 = tpu.memref_slice %arg2[%add3A_117] : memref<320000xi32, #tpu.memory_space<hbm>> -> memref<80xi32, #tpu.memory_space<hbm>>
        tpu.wait_dma2 semaphore(%arg20 : memref<!tpu.dma_semaphore, #tpu.memory_space<semaphore_mem>>) src(%dma_wait3A_119 : memref<80xi32, #tpu.memory_space<hbm>>) dst(%arg6 : memref<80xi32, #tpu.memory_space<vmem>>)
        %mul3A_120 = arith.constant 80 : i32
        %mul3A_121 = arith.muli %add3A_70, %mul3A_120 : i32
        %dma_wait3A_122 = tpu.memref_slice %arg5[%mul3A_121] : memref<10000xi32, #tpu.memory_space<vmem>> -> memref<80xi32, #tpu.memory_space<vmem>>
        %dma_wait3A_123 = arith.constant 0 : i32
        %dma_wait3A_124 = arith.constant 0 : i32
        %dma_wait3A_125 = tpu.memref_slice %arg3[%dma_wait3A_123, %dma_wait3A_124] : memref<20000x128xf32, #tpu.memory_space<hbm>> -> memref<20000x128xf32, #tpu.memory_space<hbm>>
        tpu.wait_indirect_dma semaphore(%arg14 : memref<!tpu.dma_semaphore, #tpu.memory_space<semaphore_mem>>) src(%dma_wait3A_125 : memref<20000x128xf32, #tpu.memory_space<hbm>>) dst(%arg9 : memref<80x128xf32, #tpu.memory_space<vmem>>)
        %dma_start3A_126 = arith.constant 0 : i32
        %dma_start3A_127 = arith.constant 0 : i32
        %dma_start3A_128 = tpu.memref_slice %arg12[%dma_start3A_126, %dma_start3A_127] : memref<10000x128xf32, #tpu.memory_space<vmem_shared>> -> memref<10000x128xf32, #tpu.memory_space<vmem_shared>>
        tpu.enqueue_indirect_dma source(%arg9 : memref<80x128xf32, #tpu.memory_space<vmem>>) target(%dma_start3A_128 : memref<10000x128xf32, #tpu.memory_space<vmem_shared>>) offsets(%arg6 : memref<80xi32, #tpu.memory_space<vmem>>) semaphore(%arg17 : memref<!tpu.dma_semaphore, #tpu.memory_space<semaphore_mem>>) {add = true}
      } else {
      }
      %add3A_73 = arith.constant 3 : i32
      %add3A_74 = arith.addi %add3A_70, %add3A_73 : i32
      %lt3A_75 = arith.constant 125 : i32
      %lt3A_76 = arith.cmpi slt, %add3A_74, %lt3A_75 : i32
      %convert_element_type3A_77 = arith.extui %lt3A_76 : i1 to i32
      %cond3A_78 = arith.constant 0 : i32
      %cond3A_79 = arith.cmpi ne, %convert_element_type3A_77, %cond3A_78 : i32
      scf.if %cond3A_79 {
        %dma_wait3A_113 = arith.constant 0 : i32
        %dma_wait3A_114 = arith.constant 0 : i32
        %dma_wait3A_115 = tpu.memref_slice %arg12[%dma_wait3A_113, %dma_wait3A_114] : memref<10000x128xf32, #tpu.memory_space<vmem_shared>> -> memref<10000x128xf32, #tpu.memory_space<vmem_shared>>
        tpu.wait_indirect_dma semaphore(%arg17 : memref<!tpu.dma_semaphore, #tpu.memory_space<semaphore_mem>>) src(%arg9 : memref<80x128xf32, #tpu.memory_space<vmem>>) dst(%dma_wait3A_115 : memref<10000x128xf32, #tpu.memory_space<vmem_shared>>)
        %add3A_116 = arith.constant 3 : i32
        %add3A_117 = arith.addi %add3A_70, %add3A_116 : i32
        %add3A_118 = arith.constant 160000 : i32
        %add3A_119 = arith.addi %add3A_118, %mul3A_2 : i32
        %mul3A_120 = arith.constant 80 : i32
        %mul3A_121 = arith.muli %add3A_117, %mul3A_120 : i32
        %add3A_122 = arith.addi %add3A_119, %mul3A_121 : i32
        %dma_start3A_123 = tpu.memref_slice %arg2[%add3A_122] : memref<320000xi32, #tpu.memory_space<hbm>> -> memref<80xi32, #tpu.memory_space<hbm>>
        %dma_start3A_124 = tpu.memref_slice %arg2[%add3A_122] : memref<320000xi32, #tpu.memory_space<hbm>> -> memref<80xi32, #tpu.memory_space<hbm>>
        tpu.enqueue_dma source(%dma_start3A_124 : memref<80xi32, #tpu.memory_space<hbm>>) target(%arg6 : memref<80xi32, #tpu.memory_space<vmem>>) target_semaphore(%arg20 : memref<!tpu.dma_semaphore, #tpu.memory_space<semaphore_mem>>)
        %mul3A_125 = arith.constant 80 : i32
        %mul3A_126 = arith.muli %add3A_117, %mul3A_125 : i32
        %dma_start3A_127 = tpu.memref_slice %arg5[%mul3A_126] : memref<10000xi32, #tpu.memory_space<vmem>> -> memref<80xi32, #tpu.memory_space<vmem>>
        %dma_start3A_128 = arith.constant 0 : i32
        %dma_start3A_129 = arith.constant 0 : i32
        %dma_start3A_130 = tpu.memref_slice %arg3[%dma_start3A_128, %dma_start3A_129] : memref<20000x128xf32, #tpu.memory_space<hbm>> -> memref<20000x128xf32, #tpu.memory_space<hbm>>
        tpu.enqueue_indirect_dma source(%dma_start3A_130 : memref<20000x128xf32, #tpu.memory_space<hbm>>) target(%arg9 : memref<80x128xf32, #tpu.memory_space<vmem>>) offsets(%dma_start3A_127 : memref<80xi32, #tpu.memory_space<vmem>>) semaphore(%arg14 : memref<!tpu.dma_semaphore, #tpu.memory_space<semaphore_mem>>)
      } else {
      }
      %mul3A_80 = arith.constant 3 : i32
      %mul3A_81 = arith.muli %mul3A_80, %scan3A_65 : i32
      %add3A_82 = arith.constant 1 : i32
      %add3A_83 = arith.addi %mul3A_81, %add3A_82 : i32
      %lt3A_84 = arith.constant 125 : i32
      %lt3A_85 = arith.cmpi slt, %add3A_83, %lt3A_84 : i32
      %convert_element_type3A_86 = arith.extui %lt3A_85 : i1 to i32
      %cond3A_87 = arith.constant 0 : i32
      %cond3A_88 = arith.cmpi ne, %convert_element_type3A_86, %cond3A_87 : i32
      scf.if %cond3A_88 {
        %add3A_113 = arith.constant 160000 : i32
        %add3A_114 = arith.addi %add3A_113, %mul3A_2 : i32
        %mul3A_115 = arith.constant 80 : i32
        %mul3A_116 = arith.muli %add3A_83, %mul3A_115 : i32
        %add3A_117 = arith.addi %add3A_114, %mul3A_116 : i32
        %dma_wait3A_118 = tpu.memref_slice %arg2[%add3A_117] : memref<320000xi32, #tpu.memory_space<hbm>> -> memref<80xi32, #tpu.memory_space<hbm>>
        %dma_wait3A_119 = tpu.memref_slice %arg2[%add3A_117] : memref<320000xi32, #tpu.memory_space<hbm>> -> memref<80xi32, #tpu.memory_space<hbm>>
        tpu.wait_dma2 semaphore(%arg21 : memref<!tpu.dma_semaphore, #tpu.memory_space<semaphore_mem>>) src(%dma_wait3A_119 : memref<80xi32, #tpu.memory_space<hbm>>) dst(%arg7 : memref<80xi32, #tpu.memory_space<vmem>>)
        %mul3A_120 = arith.constant 80 : i32
        %mul3A_121 = arith.muli %add3A_83, %mul3A_120 : i32
        %dma_wait3A_122 = tpu.memref_slice %arg5[%mul3A_121] : memref<10000xi32, #tpu.memory_space<vmem>> -> memref<80xi32, #tpu.memory_space<vmem>>
        %dma_wait3A_123 = arith.constant 0 : i32
        %dma_wait3A_124 = arith.constant 0 : i32
        %dma_wait3A_125 = tpu.memref_slice %arg3[%dma_wait3A_123, %dma_wait3A_124] : memref<20000x128xf32, #tpu.memory_space<hbm>> -> memref<20000x128xf32, #tpu.memory_space<hbm>>
        tpu.wait_indirect_dma semaphore(%arg15 : memref<!tpu.dma_semaphore, #tpu.memory_space<semaphore_mem>>) src(%dma_wait3A_125 : memref<20000x128xf32, #tpu.memory_space<hbm>>) dst(%arg10 : memref<80x128xf32, #tpu.memory_space<vmem>>)
        %dma_start3A_126 = arith.constant 0 : i32
        %dma_start3A_127 = arith.constant 0 : i32
        %dma_start3A_128 = tpu.memref_slice %arg12[%dma_start3A_126, %dma_start3A_127] : memref<10000x128xf32, #tpu.memory_space<vmem_shared>> -> memref<10000x128xf32, #tpu.memory_space<vmem_shared>>
        tpu.enqueue_indirect_dma source(%arg10 : memref<80x128xf32, #tpu.memory_space<vmem>>) target(%dma_start3A_128 : memref<10000x128xf32, #tpu.memory_space<vmem_shared>>) offsets(%arg7 : memref<80xi32, #tpu.memory_space<vmem>>) semaphore(%arg18 : memref<!tpu.dma_semaphore, #tpu.memory_space<semaphore_mem>>) {add = true}
      } else {
      }
      %add3A_89 = arith.constant 3 : i32
      %add3A_90 = arith.addi %add3A_83, %add3A_89 : i32
      %lt3A_91 = arith.constant 125 : i32
      %lt3A_92 = arith.cmpi slt, %add3A_90, %lt3A_91 : i32
      %convert_element_type3A_93 = arith.extui %lt3A_92 : i1 to i32
      %cond3A_94 = arith.constant 0 : i32
      %cond3A_95 = arith.cmpi ne, %convert_element_type3A_93, %cond3A_94 : i32
      scf.if %cond3A_95 {
        %dma_wait3A_113 = arith.constant 0 : i32
        %dma_wait3A_114 = arith.constant 0 : i32
        %dma_wait3A_115 = tpu.memref_slice %arg12[%dma_wait3A_113, %dma_wait3A_114] : memref<10000x128xf32, #tpu.memory_space<vmem_shared>> -> memref<10000x128xf32, #tpu.memory_space<vmem_shared>>
        tpu.wait_indirect_dma semaphore(%arg18 : memref<!tpu.dma_semaphore, #tpu.memory_space<semaphore_mem>>) src(%arg10 : memref<80x128xf32, #tpu.memory_space<vmem>>) dst(%dma_wait3A_115 : memref<10000x128xf32, #tpu.memory_space<vmem_shared>>)
        %add3A_116 = arith.constant 3 : i32
        %add3A_117 = arith.addi %add3A_83, %add3A_116 : i32
        %add3A_118 = arith.constant 160000 : i32
        %add3A_119 = arith.addi %add3A_118, %mul3A_2 : i32
        %mul3A_120 = arith.constant 80 : i32
        %mul3A_121 = arith.muli %add3A_117, %mul3A_120 : i32
        %add3A_122 = arith.addi %add3A_119, %mul3A_121 : i32
        %dma_start3A_123 = tpu.memref_slice %arg2[%add3A_122] : memref<320000xi32, #tpu.memory_space<hbm>> -> memref<80xi32, #tpu.memory_space<hbm>>
        %dma_start3A_124 = tpu.memref_slice %arg2[%add3A_122] : memref<320000xi32, #tpu.memory_space<hbm>> -> memref<80xi32, #tpu.memory_space<hbm>>
        tpu.enqueue_dma source(%dma_start3A_124 : memref<80xi32, #tpu.memory_space<hbm>>) target(%arg7 : memref<80xi32, #tpu.memory_space<vmem>>) target_semaphore(%arg21 : memref<!tpu.dma_semaphore, #tpu.memory_space<semaphore_mem>>)
        %mul3A_125 = arith.constant 80 : i32
        %mul3A_126 = arith.muli %add3A_117, %mul3A_125 : i32
        %dma_start3A_127 = tpu.memref_slice %arg5[%mul3A_126] : memref<10000xi32, #tpu.memory_space<vmem>> -> memref<80xi32, #tpu.memory_space<vmem>>
        %dma_start3A_128 = arith.constant 0 : i32
        %dma_start3A_129 = arith.constant 0 : i32
        %dma_start3A_130 = tpu.memref_slice %arg3[%dma_start3A_128, %dma_start3A_129] : memref<20000x128xf32, #tpu.memory_space<hbm>> -> memref<20000x128xf32, #tpu.memory_space<hbm>>
        tpu.enqueue_indirect_dma source(%dma_start3A_130 : memref<20000x128xf32, #tpu.memory_space<hbm>>) target(%arg10 : memref<80x128xf32, #tpu.memory_space<vmem>>) offsets(%dma_start3A_127 : memref<80xi32, #tpu.memory_space<vmem>>) semaphore(%arg15 : memref<!tpu.dma_semaphore, #tpu.memory_space<semaphore_mem>>)
      } else {
      }
      %mul3A_96 = arith.constant 3 : i32
      %mul3A_97 = arith.muli %mul3A_96, %scan3A_65 : i32
      %add3A_98 = arith.constant 2 : i32
      %add3A_99 = arith.addi %mul3A_97, %add3A_98 : i32
      %lt3A_100 = arith.constant 125 : i32
      %lt3A_101 = arith.cmpi slt, %add3A_99, %lt3A_100 : i32
      %convert_element_type3A_102 = arith.extui %lt3A_101 : i1 to i32
      %cond3A_103 = arith.constant 0 : i32
      %cond3A_104 = arith.cmpi ne, %convert_element_type3A_102, %cond3A_103 : i32
      scf.if %cond3A_104 {
        %add3A_113 = arith.constant 160000 : i32
        %add3A_114 = arith.addi %add3A_113, %mul3A_2 : i32
        %mul3A_115 = arith.constant 80 : i32
        %mul3A_116 = arith.muli %add3A_99, %mul3A_115 : i32
        %add3A_117 = arith.addi %add3A_114, %mul3A_116 : i32
        %dma_wait3A_118 = tpu.memref_slice %arg2[%add3A_117] : memref<320000xi32, #tpu.memory_space<hbm>> -> memref<80xi32, #tpu.memory_space<hbm>>
        %dma_wait3A_119 = tpu.memref_slice %arg2[%add3A_117] : memref<320000xi32, #tpu.memory_space<hbm>> -> memref<80xi32, #tpu.memory_space<hbm>>
        tpu.wait_dma2 semaphore(%arg22 : memref<!tpu.dma_semaphore, #tpu.memory_space<semaphore_mem>>) src(%dma_wait3A_119 : memref<80xi32, #tpu.memory_space<hbm>>) dst(%arg8 : memref<80xi32, #tpu.memory_space<vmem>>)
        %mul3A_120 = arith.constant 80 : i32
        %mul3A_121 = arith.muli %add3A_99, %mul3A_120 : i32
        %dma_wait3A_122 = tpu.memref_slice %arg5[%mul3A_121] : memref<10000xi32, #tpu.memory_space<vmem>> -> memref<80xi32, #tpu.memory_space<vmem>>
        %dma_wait3A_123 = arith.constant 0 : i32
        %dma_wait3A_124 = arith.constant 0 : i32
        %dma_wait3A_125 = tpu.memref_slice %arg3[%dma_wait3A_123, %dma_wait3A_124] : memref<20000x128xf32, #tpu.memory_space<hbm>> -> memref<20000x128xf32, #tpu.memory_space<hbm>>
        tpu.wait_indirect_dma semaphore(%arg16 : memref<!tpu.dma_semaphore, #tpu.memory_space<semaphore_mem>>) src(%dma_wait3A_125 : memref<20000x128xf32, #tpu.memory_space<hbm>>) dst(%arg11 : memref<80x128xf32, #tpu.memory_space<vmem>>)
        %dma_start3A_126 = arith.constant 0 : i32
        %dma_start3A_127 = arith.constant 0 : i32
        %dma_start3A_128 = tpu.memref_slice %arg12[%dma_start3A_126, %dma_start3A_127] : memref<10000x128xf32, #tpu.memory_space<vmem_shared>> -> memref<10000x128xf32, #tpu.memory_space<vmem_shared>>
        tpu.enqueue_indirect_dma source(%arg11 : memref<80x128xf32, #tpu.memory_space<vmem>>) target(%dma_start3A_128 : memref<10000x128xf32, #tpu.memory_space<vmem_shared>>) offsets(%arg8 : memref<80xi32, #tpu.memory_space<vmem>>) semaphore(%arg19 : memref<!tpu.dma_semaphore, #tpu.memory_space<semaphore_mem>>) {add = true}
      } else {
      }
      %add3A_105 = arith.constant 3 : i32
      %add3A_106 = arith.addi %add3A_99, %add3A_105 : i32
      %lt3A_107 = arith.constant 125 : i32
      %lt3A_108 = arith.cmpi slt, %add3A_106, %lt3A_107 : i32
      %convert_element_type3A_109 = arith.extui %lt3A_108 : i1 to i32
      %cond3A_110 = arith.constant 0 : i32
      %cond3A_111 = arith.cmpi ne, %convert_element_type3A_109, %cond3A_110 : i32
      scf.if %cond3A_111 {
        %dma_wait3A_113 = arith.constant 0 : i32
        %dma_wait3A_114 = arith.constant 0 : i32
        %dma_wait3A_115 = tpu.memref_slice %arg12[%dma_wait3A_113, %dma_wait3A_114] : memref<10000x128xf32, #tpu.memory_space<vmem_shared>> -> memref<10000x128xf32, #tpu.memory_space<vmem_shared>>
        tpu.wait_indirect_dma semaphore(%arg19 : memref<!tpu.dma_semaphore, #tpu.memory_space<semaphore_mem>>) src(%arg11 : memref<80x128xf32, #tpu.memory_space<vmem>>) dst(%dma_wait3A_115 : memref<10000x128xf32, #tpu.memory_space<vmem_shared>>)
        %add3A_116 = arith.constant 3 : i32
        %add3A_117 = arith.addi %add3A_99, %add3A_116 : i32
        %add3A_118 = arith.constant 160000 : i32
        %add3A_119 = arith.addi %add3A_118, %mul3A_2 : i32
        %mul3A_120 = arith.constant 80 : i32
        %mul3A_121 = arith.muli %add3A_117, %mul3A_120 : i32
        %add3A_122 = arith.addi %add3A_119, %mul3A_121 : i32
        %dma_start3A_123 = tpu.memref_slice %arg2[%add3A_122] : memref<320000xi32, #tpu.memory_space<hbm>> -> memref<80xi32, #tpu.memory_space<hbm>>
        %dma_start3A_124 = tpu.memref_slice %arg2[%add3A_122] : memref<320000xi32, #tpu.memory_space<hbm>> -> memref<80xi32, #tpu.memory_space<hbm>>
        tpu.enqueue_dma source(%dma_start3A_124 : memref<80xi32, #tpu.memory_space<hbm>>) target(%arg8 : memref<80xi32, #tpu.memory_space<vmem>>) target_semaphore(%arg22 : memref<!tpu.dma_semaphore, #tpu.memory_space<semaphore_mem>>)
        %mul3A_125 = arith.constant 80 : i32
        %mul3A_126 = arith.muli %add3A_117, %mul3A_125 : i32
        %dma_start3A_127 = tpu.memref_slice %arg5[%mul3A_126] : memref<10000xi32, #tpu.memory_space<vmem>> -> memref<80xi32, #tpu.memory_space<vmem>>
        %dma_start3A_128 = arith.constant 0 : i32
        %dma_start3A_129 = arith.constant 0 : i32
        %dma_start3A_130 = tpu.memref_slice %arg3[%dma_start3A_128, %dma_start3A_129] : memref<20000x128xf32, #tpu.memory_space<hbm>> -> memref<20000x128xf32, #tpu.memory_space<hbm>>
        tpu.enqueue_indirect_dma source(%dma_start3A_130 : memref<20000x128xf32, #tpu.memory_space<hbm>>) target(%arg11 : memref<80x128xf32, #tpu.memory_space<vmem>>) offsets(%dma_start3A_127 : memref<80xi32, #tpu.memory_space<vmem>>) semaphore(%arg16 : memref<!tpu.dma_semaphore, #tpu.memory_space<semaphore_mem>>)
      } else {
      }
      %scan3A_112 = arith.constant 0 : i32
      scf.yield %scan3A_112 : i32
    }
    %scan3A_53 = arith.constant 42 : i32
    %dma_wait3A_54 = arith.constant 0 : i32
    %dma_wait3A_55 = arith.constant 0 : i32
    %dma_wait3A_56 = tpu.memref_slice %arg12[%dma_wait3A_54, %dma_wait3A_55] : memref<10000x128xf32, #tpu.memory_space<vmem_shared>> -> memref<10000x128xf32, #tpu.memory_space<vmem_shared>>
    tpu.wait_indirect_dma semaphore(%arg17 : memref<!tpu.dma_semaphore, #tpu.memory_space<semaphore_mem>>) src(%arg9 : memref<80x128xf32, #tpu.memory_space<vmem>>) dst(%dma_wait3A_56 : memref<10000x128xf32, #tpu.memory_space<vmem_shared>>)
    %dma_wait3A_57 = arith.constant 0 : i32
    %dma_wait3A_58 = arith.constant 0 : i32
    %dma_wait3A_59 = tpu.memref_slice %arg12[%dma_wait3A_57, %dma_wait3A_58] : memref<10000x128xf32, #tpu.memory_space<vmem_shared>> -> memref<10000x128xf32, #tpu.memory_space<vmem_shared>>
    tpu.wait_indirect_dma semaphore(%arg18 : memref<!tpu.dma_semaphore, #tpu.memory_space<semaphore_mem>>) src(%arg10 : memref<80x128xf32, #tpu.memory_space<vmem>>) dst(%dma_wait3A_59 : memref<10000x128xf32, #tpu.memory_space<vmem_shared>>)
    %dma_wait3A_60 = arith.constant 0 : i32
    %dma_wait3A_61 = arith.constant 0 : i32
    %dma_wait3A_62 = tpu.memref_slice %arg12[%dma_wait3A_60, %dma_wait3A_61] : memref<10000x128xf32, #tpu.memory_space<vmem_shared>> -> memref<10000x128xf32, #tpu.memory_space<vmem_shared>>
    tpu.wait_indirect_dma semaphore(%arg19 : memref<!tpu.dma_semaphore, #tpu.memory_space<semaphore_mem>>) src(%arg11 : memref<80x128xf32, #tpu.memory_space<vmem>>) dst(%dma_wait3A_62 : memref<10000x128xf32, #tpu.memory_space<vmem_shared>>)
    %barrier3A_63 = arith.constant 0 : index
    tpu.barrier barrier_id(%barrier3A_63)
    %add3A_64 = arith.addi %mul3A_0, %min3A_6 : i32
    "tpu.region"() ({
      %run_scoped3A = tpu.sem_alloc : memref<!tpu.dma_semaphore, #tpu.memory_space<semaphore_mem>>
      %dma_start3A_65 = arith.constant 0 : i32
      %dma_start3A_66 = tpu.memref_slice %arg4[%add3A_64, %dma_start3A_65] : memref<20000x128xf32, #tpu.memory_space<hbm>> -> memref<632x128xf32, #tpu.memory_space<hbm>>
      %dma_start3A_67 = arith.constant 0 : i32
      %dma_start3A_68 = tpu.memref_slice %arg12[%min3A_6, %dma_start3A_67] : memref<10000x128xf32, #tpu.memory_space<vmem_shared>> -> memref<632x128xf32, #tpu.memory_space<vmem_shared>>
      tpu.enqueue_dma source(%dma_start3A_68 : memref<632x128xf32, #tpu.memory_space<vmem_shared>>) target(%dma_start3A_66 : memref<632x128xf32, #tpu.memory_space<hbm>>) target_semaphore(%run_scoped3A : memref<!tpu.dma_semaphore, #tpu.memory_space<semaphore_mem>>)
      %dma_wait3A_69 = arith.constant 0 : i32
      %dma_wait3A_70 = tpu.memref_slice %arg4[%add3A_64, %dma_wait3A_69] : memref<20000x128xf32, #tpu.memory_space<hbm>> -> memref<632x128xf32, #tpu.memory_space<hbm>>
      %dma_wait3A_71 = arith.constant 0 : i32
      %dma_wait3A_72 = tpu.memref_slice %arg12[%min3A_6, %dma_wait3A_71] : memref<10000x128xf32, #tpu.memory_space<vmem_shared>> -> memref<632x128xf32, #tpu.memory_space<vmem_shared>>
      tpu.wait_dma2 semaphore(%run_scoped3A : memref<!tpu.dma_semaphore, #tpu.memory_space<semaphore_mem>>) src(%dma_wait3A_72 : memref<632x128xf32, #tpu.memory_space<vmem_shared>>) dst(%dma_wait3A_70 : memref<632x128xf32, #tpu.memory_space<hbm>>)
      tpu.yield
    }) : () -> ()
    return
  }
}

module attributes {stable_mosaic.version = 14 : i64} {
  func.func @_fused_body(%arg0: i32, %arg1: memref<2x1000x128xf32, #tpu.memory_space<vmem>>, %arg2: memref<1000x256xf32, #tpu.memory_space<vmem>>, %arg3: memref<1000x1xf32, #tpu.memory_space<vmem>>, %arg4: memref<1x256xf32, #tpu.memory_space<vmem>>, %arg5: memref<256x256xf32, #tpu.memory_space<vmem>>, %arg6: memref<1000x256xf32, #tpu.memory_space<vmem>>, %arg7: memref<2x1000x128xf32, #tpu.memory_space<vmem>>) attributes {dimension_semantics = [#tpu.dimension_semantics<arbitrary>], iteration_bounds = array<i64: 10>, scalar_prefetch = 0 : i64, scratch_operands = 0 : i64, tpu.core_type = #tpu.core_type<tc>, window_params = [{transform_indices = @transform_0, window_bounds = array<i64: 2, 1000, 128>}, {transform_indices = @transform_1, window_bounds = array<i64: 1000, 256>}, {transform_indices = @transform_2, window_bounds = array<i64: 1000, 1>}, {pipeline_mode = #tpu.pipeline_mode<synchronous>, transform_indices = @transform_3, window_bounds = array<i64: 1, 256>}, {pipeline_mode = #tpu.pipeline_mode<synchronous>, transform_indices = @transform_4, window_bounds = array<i64: 256, 256>}, {transform_indices = @transform_5, window_bounds = array<i64: 1000, 256>}, {transform_indices = @transform_6, window_bounds = array<i64: 2, 1000, 128>}]} {
    %get3A = arith.constant 0 : index
    %get3A_0 = arith.constant 0 : index
    %get3A_1 = arith.constant 0 : index
    %get3A_2 = vector.load %arg1[%get3A, %get3A_0, %get3A_1] : memref<2x1000x128xf32, #tpu.memory_space<vmem>>, vector<1x1000x128xf32>
    %get3A_3 = vector.shape_cast %get3A_2 : vector<1x1000x128xf32> to vector<1000x128xf32>
    %get3A_4 = arith.constant 1 : index
    %get3A_5 = arith.constant 0 : index
    %get3A_6 = arith.constant 0 : index
    %get3A_7 = vector.load %arg1[%get3A_4, %get3A_5, %get3A_6] : memref<2x1000x128xf32, #tpu.memory_space<vmem>>, vector<1x1000x128xf32>
    %get3A_8 = vector.shape_cast %get3A_7 : vector<1x1000x128xf32> to vector<1000x128xf32>
    %concatenate3A = tpu.concatenate %get3A_3, %get3A_8 in 1 : vector<1000x128xf32>, vector<1000x128xf32> -> vector<1000x256xf32>
    %get3A_9 = arith.constant 0 : index
    %get3A_10 = arith.constant 0 : index
    %get3A_11 = vector.load %arg3[%get3A_9, %get3A_10] : memref<1000x1xf32, #tpu.memory_space<vmem>>, vector<1000x1xf32>
    %mul3A = vector.broadcast %get3A_11 : vector<1000x1xf32> to vector<1000x256xf32>
    %mul3A_12 = arith.mulf %concatenate3A, %mul3A : vector<1000x256xf32>
    %get3A_13 = arith.constant 0 : index
    %get3A_14 = arith.constant 0 : index
    %get3A_15 = vector.load %arg4[%get3A_13, %get3A_14] : memref<1x256xf32, #tpu.memory_space<vmem>>, vector<1x256xf32>
    %add3A = vector.broadcast %get3A_15 : vector<1x256xf32> to vector<1000x256xf32>
    %add3A_16 = arith.addf %mul3A_12, %add3A : vector<1000x256xf32>
    %max3A = arith.constant 0.000000e+00 : f32
    %max3A_17 = vector.broadcast %max3A : f32 to vector<1000x256xf32>
    %max3A_18 = arith.maximumf %add3A_16, %max3A_17 : vector<1000x256xf32>
    %get3A_19 = arith.constant 0 : index
    %get3A_20 = arith.constant 0 : index
    %get3A_21 = vector.load %arg2[%get3A_19, %get3A_20] : memref<1000x256xf32, #tpu.memory_space<vmem>>, vector<1000x256xf32>
    %add3A_22 = arith.addf %max3A_18, %get3A_21 : vector<1000x256xf32>
    %swap3A = arith.constant 0 : index
    %swap3A_23 = arith.constant 0 : index
    %swap3A_24 = vector.load %arg6[%swap3A, %swap3A_23] : memref<1000x256xf32, #tpu.memory_space<vmem>>, vector<1000x256xf32>
    tpu.vector_store %arg6[%swap3A, %swap3A_23], %add3A_22 {strides = array<i32>} : memref<1000x256xf32, #tpu.memory_space<vmem>>, vector<1000x256xf32>,
    %get3A_25 = arith.constant 0 : index
    %get3A_26 = arith.constant 0 : index
    %get3A_27 = vector.load %arg5[%get3A_25, %get3A_26] : memref<256x256xf32, #tpu.memory_space<vmem>>, vector<256x256xf32>
    %dot_general3A = arith.constant dense<0.000000e+00> : vector<1000x256xf32>
    %dot_general3A_28 = tpu.matmul %add3A_22, %get3A_27, %dot_general3A {dimension_numbers = #tpu.dot_dimension_numbers<[1], [0], [0], [1], [0, 0, 1, 1], [], []>, transpose_lhs_hint = false} : vector<1000x256xf32>, vector<256x256xf32>, vector<1000x256xf32> -> vector<1000x256xf32>
    %get3A_29 = arith.constant 0 : index
    %get3A_30 = arith.constant 0 : index
    %get3A_31 = vector.load %arg3[%get3A_29, %get3A_30] : memref<1000x1xf32, #tpu.memory_space<vmem>>, vector<1000x1xf32>
    %mul3A_32 = vector.broadcast %get3A_31 : vector<1000x1xf32> to vector<1000x256xf32>
    %mul3A_33 = arith.mulf %dot_general3A_28, %mul3A_32 : vector<1000x256xf32>
    %slice3A = vector.extract_strided_slice %mul3A_33 {offsets = [0, 0], sizes = [1000, 128], strides = [1, 1]} : vector<1000x256xf32> to vector<1000x128xf32>
    %swap3A_34 = arith.constant 0 : index
    %swap3A_35 = arith.constant 0 : index
    %swap3A_36 = arith.constant 0 : index
    %swap3A_37 = vector.load %arg7[%swap3A_34, %swap3A_35, %swap3A_36] : memref<2x1000x128xf32, #tpu.memory_space<vmem>>, vector<1x1000x128xf32>
    %swap3A_38 = vector.shape_cast %swap3A_37 : vector<1x1000x128xf32> to vector<1000x128xf32>
    %swap3A_39 = vector.shape_cast %slice3A : vector<1000x128xf32> to vector<1x1000x128xf32>
    tpu.vector_store %arg7[%swap3A_34, %swap3A_35, %swap3A_36], %swap3A_39 {strides = array<i32>} : memref<2x1000x128xf32, #tpu.memory_space<vmem>>, vector<1x1000x128xf32>,
    %slice3A_40 = vector.extract_strided_slice %mul3A_33 {offsets = [0, 128], sizes = [1000, 128], strides = [1, 1]} : vector<1000x256xf32> to vector<1000x128xf32>
    %swap3A_41 = arith.constant 1 : index
    %swap3A_42 = arith.constant 0 : index
    %swap3A_43 = arith.constant 0 : index
    %swap3A_44 = vector.load %arg7[%swap3A_41, %swap3A_42, %swap3A_43] : memref<2x1000x128xf32, #tpu.memory_space<vmem>>, vector<1x1000x128xf32>
    %swap3A_45 = vector.shape_cast %swap3A_44 : vector<1x1000x128xf32> to vector<1000x128xf32>
    %swap3A_46 = vector.shape_cast %slice3A_40 : vector<1000x128xf32> to vector<1x1000x128xf32>
    tpu.vector_store %arg7[%swap3A_41, %swap3A_42, %swap3A_43], %swap3A_46 {strides = array<i32>} : memref<2x1000x128xf32, #tpu.memory_space<vmem>>, vector<1x1000x128xf32>,
    return
  }
  func.func @transform_0(%arg0: i32) -> (i32, i32, i32) {
    %c0_i32 = arith.constant 0 : i32
    %c0_i32_0 = arith.constant 0 : i32
    %c0_i32_1 = arith.constant 0 : i32
    return %c0_i32, %arg0, %c0_i32_0 : i32, i32, i32
  }
  func.func @transform_1(%arg0: i32) -> (i32, i32) {
    %c0_i32 = arith.constant 0 : i32
    %c0_i32_0 = arith.constant 0 : i32
    return %arg0, %c0_i32 : i32, i32
  }
  func.func @transform_2(%arg0: i32) -> (i32, i32) {
    %c0_i32 = arith.constant 0 : i32
    %c0_i32_0 = arith.constant 0 : i32
    return %arg0, %c0_i32 : i32, i32
  }
  func.func @transform_3(%arg0: i32) -> (i32, i32) {
    %c0_i32 = arith.constant 0 : i32
    %c0_i32_0 = arith.constant 0 : i32
    %c0_i32_1 = arith.constant 0 : i32
    return %c0_i32, %c0_i32_0 : i32, i32
  }
  func.func @transform_4(%arg0: i32) -> (i32, i32) {
    %c0_i32 = arith.constant 0 : i32
    %c0_i32_0 = arith.constant 0 : i32
    %c0_i32_1 = arith.constant 0 : i32
    return %c0_i32, %c0_i32_0 : i32, i32
  }
  func.func @transform_5(%arg0: i32) -> (i32, i32) {
    %c0_i32 = arith.constant 0 : i32
    %c0_i32_0 = arith.constant 0 : i32
    return %arg0, %c0_i32 : i32, i32
  }
  func.func @transform_6(%arg0: i32) -> (i32, i32, i32) {
    %c0_i32 = arith.constant 0 : i32
    %c0_i32_0 = arith.constant 0 : i32
    %c0_i32_1 = arith.constant 0 : i32
    return %c0_i32, %arg0, %c0_i32_0 : i32, i32, i32
  }
}

module attributes {stable_mosaic.version = 14 : i64} {
  func.func @_prep_body(%arg0: memref<10000x10xf32, #tpu.memory_space<vmem>>, %arg1: memref<10x256xf32, #tpu.memory_space<vmem>>, %arg2: memref<1x256xf32, #tpu.memory_space<vmem>>, %arg3: memref<32x1x10000xf32, #tpu.memory_space<vmem>>, %arg4: memref<256x256xf32, #tpu.memory_space<vmem>>, %arg5: memref<10000x256xf32, #tpu.memory_space<vmem>>, %arg6: memref<10000x1xf32, #tpu.memory_space<vmem>>, %arg7: memref<2x10000x128xf32, #tpu.memory_space<vmem>>) attributes {dimension_semantics = [], scalar_prefetch = 0 : i64, scratch_operands = 0 : i64, tpu.core_type = #tpu.core_type<tc>} {
    %get3A = arith.constant 0 : index
    %get3A_0 = arith.constant 0 : index
    %get3A_1 = vector.load %arg0[%get3A, %get3A_0] : memref<10000x10xf32, #tpu.memory_space<vmem>>, vector<10000x10xf32>
    %get3A_2 = arith.constant 0 : index
    %get3A_3 = arith.constant 0 : index
    %get3A_4 = vector.load %arg1[%get3A_2, %get3A_3] : memref<10x256xf32, #tpu.memory_space<vmem>>, vector<10x256xf32>
    %dot_general3A = arith.constant dense<0.000000e+00> : vector<10000x256xf32>
    %dot_general3A_5 = tpu.matmul %get3A_1, %get3A_4, %dot_general3A {dimension_numbers = #tpu.dot_dimension_numbers<[1], [0], [0], [1], [0, 0, 1, 1], [], []>, transpose_lhs_hint = false} : vector<10000x10xf32>, vector<10x256xf32>, vector<10000x256xf32> -> vector<10000x256xf32>
    %get3A_6 = arith.constant 0 : index
    %get3A_7 = arith.constant 0 : index
    %get3A_8 = vector.load %arg2[%get3A_6, %get3A_7] : memref<1x256xf32, #tpu.memory_space<vmem>>, vector<1x256xf32>
    %add3A = vector.broadcast %get3A_8 : vector<1x256xf32> to vector<10000x256xf32>
    %add3A_9 = arith.addf %dot_general3A_5, %add3A : vector<10000x256xf32>
    %swap3A = arith.constant 0 : index
    %swap3A_10 = arith.constant 0 : index
    %swap3A_11 = vector.load %arg5[%swap3A, %swap3A_10] : memref<10000x256xf32, #tpu.memory_space<vmem>>, vector<10000x256xf32>
    tpu.vector_store %arg5[%swap3A, %swap3A_10], %add3A_9 {strides = array<i32>} : memref<10000x256xf32, #tpu.memory_space<vmem>>, vector<10000x256xf32>,
    %get3A_12 = arith.constant 0 : index
    %get3A_13 = arith.constant 0 : index
    %get3A_14 = arith.constant 0 : index
    %get3A_15 = vector.load %arg3[%get3A_12, %get3A_13, %get3A_14] : memref<32x1x10000xf32, #tpu.memory_space<vmem>>, vector<32x1x10000xf32>
    %reduce_sum3A = arith.constant dense<0.000000e+00> : vector<10000xf32>
    %reduce_sum3A_16 = vector.multi_reduction <add>, %get3A_15, %reduce_sum3A [0, 1] : vector<32x1x10000xf32> to vector<10000xf32>
    %add3A_17 = arith.constant 1.000000e+00 : f32
    %add3A_18 = vector.broadcast %add3A_17 : f32 to vector<10000xf32>
    %add3A_19 = arith.addf %reduce_sum3A_16, %add3A_18 : vector<10000xf32>
    %rsqrt3A = math.rsqrt %add3A_19 : vector<10000xf32>
    %broadcast_in_dim3A = vector.shape_cast %rsqrt3A : vector<10000xf32> to vector<10000x1xf32>
    %swap3A_20 = arith.constant 0 : index
    %swap3A_21 = arith.constant 0 : index
    %swap3A_22 = vector.load %arg6[%swap3A_20, %swap3A_21] : memref<10000x1xf32, #tpu.memory_space<vmem>>, vector<10000x1xf32>
    tpu.vector_store %arg6[%swap3A_20, %swap3A_21], %broadcast_in_dim3A {strides = array<i32>} : memref<10000x1xf32, #tpu.memory_space<vmem>>, vector<10000x1xf32>,
    %get3A_23 = arith.constant 0 : index
    %get3A_24 = arith.constant 0 : index
    %get3A_25 = vector.load %arg4[%get3A_23, %get3A_24] : memref<256x256xf32, #tpu.memory_space<vmem>>, vector<256x256xf32>
    %dot_general3A_26 = arith.constant dense<0.000000e+00> : vector<10000x256xf32>
    %dot_general3A_27 = tpu.matmul %add3A_9, %get3A_25, %dot_general3A_26 {dimension_numbers = #tpu.dot_dimension_numbers<[1], [0], [0], [1], [0, 0, 1, 1], [], []>, transpose_lhs_hint = false} : vector<10000x256xf32>, vector<256x256xf32>, vector<10000x256xf32> -> vector<10000x256xf32>
    %mul3A = vector.broadcast %broadcast_in_dim3A : vector<10000x1xf32> to vector<10000x256xf32>
    %mul3A_28 = arith.mulf %dot_general3A_27, %mul3A : vector<10000x256xf32>
    %slice3A = vector.extract_strided_slice %mul3A_28 {offsets = [0, 0], sizes = [10000, 128], strides = [1, 1]} : vector<10000x256xf32> to vector<10000x128xf32>
    %swap3A_29 = arith.constant 0 : index
    %swap3A_30 = arith.constant 0 : index
    %swap3A_31 = arith.constant 0 : index
    %swap3A_32 = vector.load %arg7[%swap3A_29, %swap3A_30, %swap3A_31] : memref<2x10000x128xf32, #tpu.memory_space<vmem>>, vector<1x10000x128xf32>
    %swap3A_33 = vector.shape_cast %swap3A_32 : vector<1x10000x128xf32> to vector<10000x128xf32>
    %swap3A_34 = vector.shape_cast %slice3A : vector<10000x128xf32> to vector<1x10000x128xf32>
    tpu.vector_store %arg7[%swap3A_29, %swap3A_30, %swap3A_31], %swap3A_34 {strides = array<i32>} : memref<2x10000x128xf32, #tpu.memory_space<vmem>>, vector<1x10000x128xf32>,
    %slice3A_35 = vector.extract_strided_slice %mul3A_28 {offsets = [0, 128], sizes = [10000, 128], strides = [1, 1]} : vector<10000x256xf32> to vector<10000x128xf32>
    %swap3A_36 = arith.constant 1 : index
    %swap3A_37 = arith.constant 0 : index
    %swap3A_38 = arith.constant 0 : index
    %swap3A_39 = vector.load %arg7[%swap3A_36, %swap3A_37, %swap3A_38] : memref<2x10000x128xf32, #tpu.memory_space<vmem>>, vector<1x10000x128xf32>
    %swap3A_40 = vector.shape_cast %swap3A_39 : vector<1x10000x128xf32> to vector<10000x128xf32>
    %swap3A_41 = vector.shape_cast %slice3A_35 : vector<10000x128xf32> to vector<1x10000x128xf32>
    tpu.vector_store %arg7[%swap3A_36, %swap3A_37, %swap3A_38], %swap3A_41 {strides = array<i32>} : memref<2x10000x128xf32, #tpu.memory_space<vmem>>, vector<1x10000x128xf32>,
    return
  }
}

module attributes {stable_mosaic.version = 14 : i64} {
  func.func @_post_body(%arg0: i32, %arg1: memref<2x1000x128xf32, #tpu.memory_space<vmem>>, %arg2: memref<1000x256xf32, #tpu.memory_space<vmem>>, %arg3: memref<1000x1xf32, #tpu.memory_space<vmem>>, %arg4: memref<1x256xf32, #tpu.memory_space<vmem>>, %arg5: memref<1000x256xf32, #tpu.memory_space<vmem>>) attributes {dimension_semantics = [#tpu.dimension_semantics<arbitrary>], iteration_bounds = array<i64: 10>, scalar_prefetch = 0 : i64, scratch_operands = 0 : i64, tpu.core_type = #tpu.core_type<tc>, window_params = [{transform_indices = @transform_0, window_bounds = array<i64: 2, 1000, 128>}, {transform_indices = @transform_1, window_bounds = array<i64: 1000, 256>}, {transform_indices = @transform_2, window_bounds = array<i64: 1000, 1>}, {pipeline_mode = #tpu.pipeline_mode<synchronous>, transform_indices = @transform_3, window_bounds = array<i64: 1, 256>}, {transform_indices = @transform_4, window_bounds = array<i64: 1000, 256>}]} {
    %get3A = arith.constant 0 : index
    %get3A_0 = arith.constant 0 : index
    %get3A_1 = arith.constant 0 : index
    %get3A_2 = vector.load %arg1[%get3A, %get3A_0, %get3A_1] : memref<2x1000x128xf32, #tpu.memory_space<vmem>>, vector<1x1000x128xf32>
    %get3A_3 = vector.shape_cast %get3A_2 : vector<1x1000x128xf32> to vector<1000x128xf32>
    %get3A_4 = arith.constant 1 : index
    %get3A_5 = arith.constant 0 : index
    %get3A_6 = arith.constant 0 : index
    %get3A_7 = vector.load %arg1[%get3A_4, %get3A_5, %get3A_6] : memref<2x1000x128xf32, #tpu.memory_space<vmem>>, vector<1x1000x128xf32>
    %get3A_8 = vector.shape_cast %get3A_7 : vector<1x1000x128xf32> to vector<1000x128xf32>
    %concatenate3A = tpu.concatenate %get3A_3, %get3A_8 in 1 : vector<1000x128xf32>, vector<1000x128xf32> -> vector<1000x256xf32>
    %get3A_9 = arith.constant 0 : index
    %get3A_10 = arith.constant 0 : index
    %get3A_11 = vector.load %arg3[%get3A_9, %get3A_10] : memref<1000x1xf32, #tpu.memory_space<vmem>>, vector<1000x1xf32>
    %mul3A = vector.broadcast %get3A_11 : vector<1000x1xf32> to vector<1000x256xf32>
    %mul3A_12 = arith.mulf %concatenate3A, %mul3A : vector<1000x256xf32>
    %get3A_13 = arith.constant 0 : index
    %get3A_14 = arith.constant 0 : index
    %get3A_15 = vector.load %arg4[%get3A_13, %get3A_14] : memref<1x256xf32, #tpu.memory_space<vmem>>, vector<1x256xf32>
    %add3A = vector.broadcast %get3A_15 : vector<1x256xf32> to vector<1000x256xf32>
    %add3A_16 = arith.addf %mul3A_12, %add3A : vector<1000x256xf32>
    %max3A = arith.constant 0.000000e+00 : f32
    %max3A_17 = vector.broadcast %max3A : f32 to vector<1000x256xf32>
    %max3A_18 = arith.maximumf %add3A_16, %max3A_17 : vector<1000x256xf32>
    %get3A_19 = arith.constant 0 : index
    %get3A_20 = arith.constant 0 : index
    %get3A_21 = vector.load %arg2[%get3A_19, %get3A_20] : memref<1000x256xf32, #tpu.memory_space<vmem>>, vector<1000x256xf32>
    %add3A_22 = arith.addf %max3A_18, %get3A_21 : vector<1000x256xf32>
    %swap3A = arith.constant 0 : index
    %swap3A_23 = arith.constant 0 : index
    %swap3A_24 = vector.load %arg5[%swap3A, %swap3A_23] : memref<1000x256xf32, #tpu.memory_space<vmem>>, vector<1000x256xf32>
    tpu.vector_store %arg5[%swap3A, %swap3A_23], %add3A_22 {strides = array<i32>} : memref<1000x256xf32, #tpu.memory_space<vmem>>, vector<1000x256xf32>,
    return
  }
  func.func @transform_0(%arg0: i32) -> (i32, i32, i32) {
    %c0_i32 = arith.constant 0 : i32
    %c0_i32_0 = arith.constant 0 : i32
    %c0_i32_1 = arith.constant 0 : i32
    return %c0_i32, %arg0, %c0_i32_0 : i32, i32, i32
  }
  func.func @transform_1(%arg0: i32) -> (i32, i32) {
    %c0_i32 = arith.constant 0 : i32
    %c0_i32_0 = arith.constant 0 : i32
    return %arg0, %c0_i32 : i32, i32
  }
  func.func @transform_2(%arg0: i32) -> (i32, i32) {
    %c0_i32 = arith.constant 0 : i32
    %c0_i32_0 = arith.constant 0 : i32
    return %arg0, %c0_i32 : i32, i32
  }
  func.func @transform_3(%arg0: i32) -> (i32, i32) {
    %c0_i32 = arith.constant 0 : i32
    %c0_i32_0 = arith.constant 0 : i32
    %c0_i32_1 = arith.constant 0 : i32
    return %c0_i32, %c0_i32_0 : i32, i32
  }
  func.func @transform_4(%arg0: i32) -> (i32, i32) {
    %c0_i32 = arith.constant 0 : i32
    %c0_i32_0 = arith.constant 0 : i32
    return %arg0, %c0_i32 : i32, i32
  }
}

</mosaic_0001>

<sc_bundles>
// kernel: kernel.10.cloned.1.call-start
scs
__scs_entry_jumppad:
0x0: {  	(pc) =	sbr.rel $0x88, $3  }
0x1: {  	(tag) =	ssettag $0x0;
	lr =	simm.s32 $0x1  }
0x2: {  	[smem:$0x3F97] =	sst lr;
	_ =	strace $0xD0000000  }
0x3: {  	_ = 	snop  }
0x4: {  	_ = 	snop  }
0x5: {  	_ = 	snop  }
0x6: {  	_ = 	snop  }
0x7: {  	_ = 	snop  }
__scs_overlays_trampoline_lowered:
0x8: {  	[smem:$0x3FA6] =	sst s0  }
0x9: {  	[smem:$0x3FA7] =	sst s1  }
0xa: {  	[smem:$0x3FA8] =	sst s2  }
0xb: {  	[smem:$0x3FA9] =	sst s3  }
0xc: {  	[smem:$0x3FAA] =	sst s4  }
0xd: {  	[smem:$0x3FAB] =	sst s5  }
0xe: {  	[smem:$0x3FAC] =	sst s6  }
0xf: {  	[smem:$0x3FAD] =	sst s7  }
0x10: {  	[smem:$0x3FAE] =	sst s8  }
0x11: {  	[smem:$0x3FAF] =	sst s9;
	s0 =	simm.s32 @!p0 $0x0  }
0x12: {  	s1 =	sld [smem:$0x3F95];
	s0 =	simm.s32 @p0 $0x1  }
0x13: {  	[smem:$0x3FB0] =	sst s0;
	s0 =	simm.s32 @!p1 $0x0  }
0x14: {  	s2 =	sld [smem:$0x3F94];
	s0 =	simm.s32 @p1 $0x1  }
0x15: {  	[smem:$0x3FB1] =	sst s0;
	s0 =	simm.s32 @!p2 $0x0  }
0x16: {  	s3 =	sld [smem:$0x3FDB];
	s0 =	simm.s32 @p2 $0x1  }
0x17: {  	s4 =	simm.s32 $0x1BF5;
	[smem:$0x3FB3] =	sst s0  }
0x18: {  	s0 =	sld [smem:$0x3F96];
	_ =	swait.ge [sflag:s4], $0x0  }
0x19: {  	s7 =	sld [smem:$0x3F97]  }
0x1a: {  	s8 =	sadd.s32 $0xFFFFE003, lr  }
0x1b: {  	s9 =	sadd.s32 $0xFFFFFEF7, lr;
	s5 =	simm.s32 $0xFFFFFFFF;
	p2 =	slt.u32 s8, $0xFFFFF086  }
0x1c: {  	p1 =	slt.u32 s9, $0xF7A;
	s5 =	simm.s32 @!p2 $0x0  }
0x1d: {  	s5 =	simm.s32 @p1 $0x1;
	p0 =	seq.s32 s7, s2  }
0x1e: {  	s7 =	smul.u32 @!p0 $0xF7A, s2;
	p2 =	seq.s32 @!p0 s5, $0x0  }
0x1f: {  	s9 =	smul.u32 $0xF7A, s1;
	s8 =	simm.s32 @!p0 $0x1BF5;
	p2 =	por !p2, p0  }
0x20: {  	[sflag:s8] =	ssyncset.s32 @!p0 $0xFFFFF086;
	s6 =	sadd.s32 @!p0 s3, s7;
	s7 =	simm.s32 @!p0 $0x108  }
0x21: {  	s3 =	sadd.s32 s3, s9;
	s6 =	sadd.s32 @!p0 $0x88, s6;
	s7 =	simm.s32 @p2 $0x1082  }
0x22: {  	[simem:s7], [sflag:s8] =	dma.local @!p0 [hbm:s6], $0xF7A  }
0x23: {  	s9 =	sor.u32 $0xD0000000, s2;
	s6 =	simm.s32 $0x108;
	_ =	swait.ge @!p0 [sflag:s8], $0x0  }
0x24: {  	s3 =	sadd.s32 $0x88, s3;
	s6 =	simm.s32 @!p1 $0x1082;
	[sflag:s4] =	ssyncset.s32 $0xFFFFF086  }
0x25: {  	[simem:s6], [sflag:s4] =	dma.local [hbm:s3], $0xF7A  }
0x26: {  	[smem:$0x3F97] =	sst s1;
	(tag) =	ssettag s2;
	_ =	strace s9  }
0x27: {  	s1 =	sld [smem:$0x3FA7]  }
0x28: {  	s2 =	sld [smem:$0x3FA8]  }
0x29: {  	s4 =	sld [smem:$0x3FAA]  }
0x2a: {  	p0 =	seq.s32 s5, $0x0;
	s5 =	sld [smem:$0x3FAB]  }
0x2b: {  	s6 =	sld [smem:$0x3FAC]  }
0x2c: {  	s7 =	sld [smem:$0x3FAD]  }
0x2d: {  	s3 =	simm.s32 $0x108;
	s8 =	sld [smem:$0x3FAE]  }
0x2e: {  	s3 =	simm.s32 @!p0 $0x1082;
	s9 =	sld [smem:$0x3FAF]  }
0x2f: {  	lr =	sadd.s32 s0, s3;
	s0 =	sld [smem:$0x3FA6]  }
0x30: {  	s3 =	sld [smem:$0x3FA9]  }
0x31: {  	[smem:$0x3FB2] =	sst s10  }
0x32: {  	s10 =	sld [smem:$0x3FB0];
	_ =	sdelay $0x3  }
0x33: {  	p0 =	seq.s32 s10, $0x1;
	s10 =	sld [smem:$0x3FB2];
	_ =	sdelay $0x3  }
0x34: {  	[smem:$0x3FB2] =	sst s10  }
0x35: {  	s10 =	sld [smem:$0x3FB1];
	_ =	sdelay $0x3  }
0x36: {  	p1 =	seq.s32 s10, $0x1;
	s10 =	sld [smem:$0x3FB2];
	_ =	sdelay $0x3  }
0x37: {  	[smem:$0x3FB2] =	sst s10  }
0x38: {  	s10 =	sld [smem:$0x3FB3]  }
0x39: {  	_ = 	snop;
	(pc) =	sbr.ind lr, $3  }
0x3a: {  	_ = 	snop  }
0x3b: {  	_ = 	snop  }
0x3c: {  	p2 =	seq.s32 s10, $0x1;
	s10 =	sld [smem:$0x3FB2]  }
0x3d: {  	_ =	shalt  }
0x3e: {  	_ =	shalt  }
0x3f: {  	_ =	shalt  }
0x40: {  	_ =	shalt  }
0x41: {  	_ =	shalt  }
0x42: {  	_ =	shalt  }
0x43: {  	_ =	shalt  }
0x44: {  	_ =	shalt  }
0x45: {  	_ =	shalt  }
0x46: {  	_ =	shalt  }
0x47: {  	_ =	shalt  }
0x48: {  	_ =	shalt  }
0x49: {  	_ =	shalt  }
0x4a: {  	_ =	shalt  }
0x4b: {  	_ =	shalt  }
0x4c: {  	_ =	shalt  }
0x4d: {  	_ =	shalt  }
0x4e: {  	_ =	shalt  }
0x4f: {  	_ =	shalt  }
0x50: {  	_ =	shalt  }
0x51: {  	_ =	shalt  }
0x52: {  	_ =	shalt  }
0x53: {  	_ =	shalt  }
0x54: {  	_ =	shalt  }
0x55: {  	_ =	shalt  }
0x56: {  	_ =	shalt  }
0x57: {  	_ =	shalt  }
0x58: {  	_ =	shalt  }
0x59: {  	_ =	shalt  }
0x5a: {  	_ =	shalt  }
0x5b: {  	_ =	shalt  }
0x5c: {  	_ =	shalt  }
0x5d: {  	_ =	shalt  }
0x5e: {  	_ =	shalt  }
0x5f: {  	_ =	shalt  }
0x60: {  	_ =	shalt  }
0x61: {  	_ =	shalt  }
0x62: {  	_ =	shalt  }
0x63: {  	_ =	shalt  }
0x64: {  	_ =	shalt  }
0x65: {  	_ =	shalt  }
0x66: {  	_ =	shalt  }
0x67: {  	_ =	shalt  }
0x68: {  	_ =	shalt  }
0x69: {  	_ =	shalt  }
0x6a: {  	_ =	shalt  }
0x6b: {  	_ =	shalt  }
0x6c: {  	_ =	shalt  }
0x6d: {  	_ =	shalt  }
0x6e: {  	_ =	shalt  }
0x6f: {  	_ =	shalt  }
0x70: {  	_ =	shalt  }
0x71: {  	_ =	shalt  }
0x72: {  	_ =	shalt  }
0x73: {  	_ =	shalt  }
0x74: {  	_ =	shalt  }
0x75: {  	_ =	shalt  }
0x76: {  	_ =	shalt  }
0x77: {  	_ =	shalt  }
0x78: {  	_ =	shalt  }
0x79: {  	_ =	shalt  }
0x7a: {  	_ =	shalt  }
0x7b: {  	_ =	shalt  }
0x7c: {  	_ =	shalt  }
0x7d: {  	_ =	shalt  }
0x7e: {  	_ =	shalt  }
0x7f: {  	_ =	shalt  }
0x80: {  	_ =	shalt  }
0x81: {  	_ =	shalt  }
0x82: {  	_ =	shalt  }
0x83: {  	_ =	shalt  }
0x84: {  	_ =	shalt  }
0x85: {  	_ =	shalt  }
0x86: {  	_ =	shalt  }
0x87: {  	_ =	shalt  }
.Lfunc_end0:
.L_simem_size_0:
called_computation_lowered:
.L_overlay_start_0:
0x88: {  	s2 =	sld [smem:$0x3FD9]  }
0x89: {  	s3 =	sld [smem:$0x3FFE];
	_ =	sdelay $0x1  }
0x8a: {  	s1 =	srdreg.scid  }
0x8b: {  	s0 =	sand.u32 $0x1, s1  }
0x8c: {  	s17 =	sshll.u32 s0, $0xA;
	s2 =	sadd.s32 s3, s2  }
0x8d: {  	s2 =	sadd.s32 s2, s17  }
0x8e: {  	[smem:$0x3FBE] =	sst s2  }
0x8f: {  	_ = 	snop  }
0x90: {  	s2 =	sld [smem:$0x3FD0];
	(tm) =	ssettm $0x1  }
0x91: {  	s18 =	sld [smem:$0x3FFB];
	_ =	sdelay $0x3  }
0x92: {  	_ =	strace s18  }
0x93: {  	s3 =	sld [smem:$0x3FFC];
	_ =	sdelay $0x3  }
0x94: {  	_ =	strace s3  }
0x95: {  	s3 =	sld [smem:$0x3FFD];
	_ =	sdelay $0x3  }
0x96: {  	_ =	strace s3  }
0x97: {  	_ =	strace $0x8FFFFFFF  }
0x98: {  	s19 =	sld [smem:$0x3FDB];
	_ =	sdelay $0x1  }
0x99: {  	s4 =	simm.s32 $_scs_section_size  }
0x9a: {  	s5 =	simm.s32 $_size__tile_overlayer_lowered;
	s6 =	simm.s32 $_tile_overlayer_lowered  }
0x9b: {  	s22 =	simm.s32 $0x1BFF;
	s21 =	sshll.u32 s6, $0x1;
	s3 =	sadd.s32 s4, s19  }
0x9c: {  	s7 =	simm.s32 $0x0;
	s20 =	sshll.u32 s5, $0x1;
	s5 =	sadd.s32 s21, s3  }
0x9d: {  	[timem:s7], [sflag:s22] =	dma.local [hbm:s5], s20  }
0x9e: {  	_ =	swait.ge [sflag:s22], s20  }
0x9f: {  	s4 =	ssub.s32 $0x0, s20;
	[sflag:s22] =	ssyncset.done $0x0  }
0xa0: {  	[sflag:s22] =	ssyncadd.s32 s4;
	_ =	sdelay $0x1  }
0xa1: {  	s23 =	simm.s32 $0x1B8B  }
0xa2: {  	_ =	swait.ge [sflag:s23], $0x1  }
0xa3: {  	[sflag:s23] =	ssyncset.done $0x0  }
0xa4: {  	s25 =	simm.s32 $0x1B8E;
	s24 =	sld [smem:$0x3FFE];
	[sflag:s23] =	ssyncadd.s32 $0xFFFFFFFF  }
0xa5: {  	s26 =	simm.s32 $execute0_lowered;
	[smem:$0x3FD2] =	sst s25  }
0xa6: {  	s5 =	sshll.u32 s26, $0x1;
	_ =	strace $0x80000046;
	[dreg:$0x1] =	wrdreg $0xFFFFFFFF  }
0xa7: {  	s28 =	simm.s32 $_size_execute0_lowered;
	s3 =	sadd.s32 s3, s5;
	[dreg:$0x0] =	wrdreg $0x0  }
0xa8: {  	s5 =	sshll.u32 s28, $0x1;
	[dreg:$0x2] =	wrdreg s3  }
0xa9: {  	[dreg:$0x3] =	wrdreg s5  }
0xaa: {  	[dreg:$0x4] =	wrdreg $0xC0  }
0xab: {  	_ =	task [dreg:s7], $0x5FFFF  }
0xac: {  	[dreg:$0x1] =	wrdreg $0xFFFFFFFF  }
0xad: {  	[dreg:$0x0] =	wrdreg $0x60  }
0xae: {  	[dreg:$0x2] =	wrdreg s24  }
0xaf: {  	[dreg:$0x3] =	wrdreg s2  }
0xb0: {  	[dreg:$0x4] =	wrdreg $0x9  }
0xb1: {  	_ =	task.clear_ibuf [dreg:s7], $0x5FFFF;
	_ =	strace $0x90000046  }
0xb2: {  	s29 =	simm.s32 $0x9;
	_ =	strace $0x80000048  }
0xb3: {  	_ =	swait.ge [sflag:s29], $0x1  }
0xb4: {  	[sflag:s29] =	ssyncadd.s32 $0xFFFFFFFF  }
0xb5: {  	_ =	strace $0x90000048  }
0xb6: {  	_ =	sfence  }
0xb7: {  	s30 =	sld [smem:$0x0];
	_ =	sdelay $0x2  }
0xb8: {  	s31 =	sshll.u32 s1, $0xD;
	s1 =	sshrl.u32 s1, $0x2  }
0xb9: {  	s3 =	sand.u32 $0x4000, s31;
	s1 =	sadd.s32 s1, s30  }
0xba: {  	s0 =	sor.u32 s3, s0;
	s1 =	sshll.u32 s1, $0x11  }
0xbb: {  	s0 =	sor.u32 s1, s0  }
0xbc: {  	s0 =	sadd.s32 $0x8F2B, s0  }
0xbd: {  	[sflag:s0] =	ssyncadd.remote.s32 $0x1  }
0xbe: {  	_ =	sfence.sel $0xFFFF  }
0xbf: {  	[dreg:$0x0] =	wrdreg $0xFFFFFFFF;
	(pc) =	sbr.abs _section_cstart, $3  }
0xc0: {  	[dreg:$0x1] =	wrdreg $0xFFFFFFFF  }
0xc1: {  	_ =	task.clear_ibuf [dreg:s7], $0x2FFFF;
	_ =	strace $0x9FFFFFFF  }
0xc2: {  	(tm) =	ssettm $0x7FFFFFFF  }
0xc3: {  	_ =	shalt  }
tec
execute0_lowered:
.L_overlay_start_1:
0x0: {  	(tag) =	ssettag $0x1  }
0x1: {  	s1 =	srdreg.scid;
	s0 =	stileid.u32  }
0x2: {  	s4 =	sand.u32 $0x1, s1;
	s31 =	sshll.u32 s0, $0x1  }
0x3: {  	s3 =	rddreg [dreg:$0x0];
	s6 =	sor.u32 s4, s31  }
0x4: {  	s5 =	rddreg [dreg:$0x1];
	s2 =	simm.s32 $0x0;
	s7 =	smul.u32 $0x1388, s6  }
0x5: {  	[smem:$0x7FF] =	sst s2;
	s4 =	ssub.s32 $0x2, s4;
	s6 =	smul.u32 $0x4F0, s6  }
0x6: {  	s1 =	rddreg [dreg:$0x2];
	_ =	strace $0x80000047;
	s8 =	sshrl.u32 s4, $0x1  }
0x7: {  	s8 =	ssub.s32 s4, s8;
	s7 =	sshrl.u32 s7, $0x3;
	s4 =	sadd.s32 s5, s6  }
0x8: {  	s5 =	smax.u32 s8, $0x1;
	s6 =	simm.s32 $0x1;
	s3 =	sadd.s32 s3, s7  }
0x9: {  	v0 =	vimm.f32 $0.0e+00;
	v1 =	vimm.f32 $1.000000000e+00;
	s8 =	simm.s32 $0x0;
	s7 =	simm.s32 $0x1400;
	s3 =	sadd.s32 $0x8020, s3  }
.LBB2_1:
0xa: {  	s9 =	simm.s32 $0x40;
	s10 =	simm.s32 $0x0  }
.LBB2_2:
0xb: {  	p0 =	sne.s32 s9, $0x9C00;
	[tilespmem:s10+$0x1400] =	vst v0;
	s10 =	smov.u32 s9;
	s9 =	sadd.s32 $0x40, s9  }
.Ltmp0:
0xc: {  	(pc) =	sbr.rel @p0 .LBB2_2-.Ltmp0, $2  }
0xd: {  	_ =	sdelay $0x2  }
0xe: {  	s10 =	sshra.s32 s10, $0x2  }
0xf: {  	[tilespmem:s10+$0x1400] =	vst v0;
	s9 =	simm.s32 $0x0  }
0x10: {  	[tilespmem:s9], [sflag:$0x1] =	stream.linear.gather [hbm4b:s3+s9], $0x1388, $0x38;
	[tilespmem:$0x3B80] =	vst v63  }
0x11: {  	_ =	swait.ge [sflag:s6], $0x1388  }
0x12: {  	[sflag:s6] =	ssyncset.done $0x0  }
0x13: {  	s10 =	simm.s32 $0x0;
	s9 =	simm.s32 $0x40;
	[sflag:s6] =	ssyncadd.s32 $0xFFFFEC78  }
.LBB2_4:
0x14: {  	p0 =	sne.s32 s9, $0x4DC0;
	v2 =	vld [tilespmem:s10+$0x0];
	_ =	sdelay $0x3  }
.Ltmp1:
0x15: {  	(pc) =	sbr.rel @p0 .LBB2_4-.Ltmp1, $2  }
0x16: {  	_ =	sdelay $0x2  }
0x17: {  	s10 =	sshra.s32 s9, $0x2;
	s9 =	sadd.s32 $0x40, s9;
	[tilespmem:v2+s7+$0x0] =	vst.idx.add.f32.msk $0xffff, v1  }
0x18: {  	v2 =	vld [tilespmem:s10+$0x0];
	_ =	sdelay $0x7  }
0x19: {  	[tilespmem:v2+s7+$0x0] =	vst.idx.add.f32.msk $0xffff, v1  }
0x1a: {  	v2 =	vld [tilespmem:$0x1380];
	_ =	sdelay $0x5  }
0x1b: {  	s8 =	sadd.s32 $0x1, s8  }
0x1c: {  	p0 =	sne.s32 s8, s5  }
.Ltmp2:
0x1d: {  	[tilespmem:v2+s7+$0x0] =	vst.idx.add.f32.msk $0xff, v1;
	(pc) =	sbr.rel @p0 .LBB2_1-.Ltmp2, $4  }
0x1e: {  	[hbm4b:s4+s2] =	stream.linear.scatter [tilespmem:s7], [sflag:$0x1], $0x2780, $0x38;
	[tilespmem:$0x3B80] =	vst v63  }
0x1f: {  	_ =	swait.ge [sflag:s6], $0x2780  }
0x20: {  	[sflag:s6] =	ssyncset.done $0x0  }
0x21: {  	[sflag:s6] =	ssyncadd.s32 $0xFFFFD880  }
0x22: {  	_ =	sfence.sel $0x180000  }
0x23: {  	[bflag:$0x0] =	sbarrier.arrive $0xFFFF  }
0x24: {  	p0 =	sne.s32 s0, $0x0;
	_ =	strace $0x90000047  }
0x25: {  	s0 =	sadd.s32 @!p0 $0x100000, s1;
	[bflag:$0x2] =	sbarrier.arrive $0xFFFF  }
0x26: {  	[sflag:s0] =	ssyncadd.tile.s32 @!p0 $0x1;
	_ =	shalt  }
.Lfunc_end2:
_tile_overlayer_lowered:
.L_overlay_start_2:
0x27: {  	(tag) =	ssettag $0x2  }
0x28: {  	s0 =	rddreg [dreg:$0x0];
	s2 =	stileid.u32  }
0x29: {  	s1 =	rddreg [dreg:$0x1];
	p0 =	sne.s32 s2, $0x0  }
0x2a: {  	s3 =	rddreg [dreg:$0x2];
	[bflag:$0x3] =	sbarrier.arrive $0xFFFF;
	s2 =	simm.s32 @!p0 $0x1C01  }
0x2b: {  	[timem:s3], [sflag:s2] =	dma.local @!p0 [hbm:s0], s1  }
0x2c: {  	s0 =	simm.s32 @!p0 $0x1  }
0x2d: {  	_ =	swait.ge @!p0 [sflag:s0], s1  }
0x2e: {  	s1 =	ssub.s32 @!p0 $0x0, s1;
	[sflag:s0] =	ssyncset.done @!p0 $0x0  }
0x2f: {  	[sflag:s0] =	ssyncadd.s32 @!p0 s1  }
0x30: {  	[bflag:$0x3] =	sbarrier.arrive $0xFFFF  }
0x31: {  	_ =	shalt  }

// kernel: kernel.13.cloned.1.call-start
scs
__scs_entry_jumppad:
0x0: {  	(pc) =	sbr.rel $0x88, $3  }
0x1: {  	(tag) =	ssettag $0x0;
	lr =	simm.s32 $0x1  }
0x2: {  	[smem:$0x3F97] =	sst lr;
	_ =	strace $0xD0000000  }
0x3: {  	_ = 	snop  }
0x4: {  	_ = 	snop  }
0x5: {  	_ = 	snop  }
0x6: {  	_ = 	snop  }
0x7: {  	_ = 	snop  }
__scs_overlays_trampoline_lowered:
0x8: {  	[smem:$0x3FA6] =	sst s0  }
0x9: {  	[smem:$0x3FA7] =	sst s1  }
0xa: {  	[smem:$0x3FA8] =	sst s2  }
0xb: {  	[smem:$0x3FA9] =	sst s3  }
0xc: {  	[smem:$0x3FAA] =	sst s4  }
0xd: {  	[smem:$0x3FAB] =	sst s5  }
0xe: {  	[smem:$0x3FAC] =	sst s6  }
0xf: {  	[smem:$0x3FAD] =	sst s7  }
0x10: {  	[smem:$0x3FAE] =	sst s8  }
0x11: {  	[smem:$0x3FAF] =	sst s9;
	s0 =	simm.s32 @!p0 $0x0  }
0x12: {  	s1 =	sld [smem:$0x3F95];
	s0 =	simm.s32 @p0 $0x1  }
0x13: {  	[smem:$0x3FB0] =	sst s0;
	s0 =	simm.s32 @!p1 $0x0  }
0x14: {  	s2 =	sld [smem:$0x3F94];
	s0 =	simm.s32 @p1 $0x1  }
0x15: {  	[smem:$0x3FB1] =	sst s0;
	s0 =	simm.s32 @!p2 $0x0  }
0x16: {  	s3 =	sld [smem:$0x3FDB];
	s0 =	simm.s32 @p2 $0x1  }
0x17: {  	s4 =	simm.s32 $0x1BF5;
	[smem:$0x3FB3] =	sst s0  }
0x18: {  	s0 =	sld [smem:$0x3F96];
	_ =	swait.ge [sflag:s4], $0x0  }
0x19: {  	s7 =	sld [smem:$0x3F97]  }
0x1a: {  	s8 =	sadd.s32 $0xFFFFE003, lr  }
0x1b: {  	s9 =	sadd.s32 $0xFFFFFEF7, lr;
	s5 =	simm.s32 $0xFFFFFFFF;
	p2 =	slt.u32 s8, $0xFFFFF086  }
0x1c: {  	p1 =	slt.u32 s9, $0xF7A;
	s5 =	simm.s32 @!p2 $0x0  }
0x1d: {  	s5 =	simm.s32 @p1 $0x1;
	p0 =	seq.s32 s7, s2  }
0x1e: {  	s7 =	smul.u32 @!p0 $0xF7A, s2;
	p2 =	seq.s32 @!p0 s5, $0x0  }
0x1f: {  	s9 =	smul.u32 $0xF7A, s1;
	s8 =	simm.s32 @!p0 $0x1BF5;
	p2 =	por !p2, p0  }
0x20: {  	[sflag:s8] =	ssyncset.s32 @!p0 $0xFFFFF086;
	s6 =	sadd.s32 @!p0 s3, s7;
	s7 =	simm.s32 @!p0 $0x108  }
0x21: {  	s3 =	sadd.s32 s3, s9;
	s6 =	sadd.s32 @!p0 $0x88, s6;
	s7 =	simm.s32 @p2 $0x1082  }
0x22: {  	[simem:s7], [sflag:s8] =	dma.local @!p0 [hbm:s6], $0xF7A  }
0x23: {  	s9 =	sor.u32 $0xD0000000, s2;
	s6 =	simm.s32 $0x108;
	_ =	swait.ge @!p0 [sflag:s8], $0x0  }
0x24: {  	s3 =	sadd.s32 $0x88, s3;
	s6 =	simm.s32 @!p1 $0x1082;
	[sflag:s4] =	ssyncset.s32 $0xFFFFF086  }
0x25: {  	[simem:s6], [sflag:s4] =	dma.local [hbm:s3], $0xF7A  }
0x26: {  	[smem:$0x3F97] =	sst s1;
	(tag) =	ssettag s2;
	_ =	strace s9  }
0x27: {  	s1 =	sld [smem:$0x3FA7]  }
0x28: {  	s2 =	sld [smem:$0x3FA8]  }
0x29: {  	s4 =	sld [smem:$0x3FAA]  }
0x2a: {  	p0 =	seq.s32 s5, $0x0;
	s5 =	sld [smem:$0x3FAB]  }
0x2b: {  	s6 =	sld [smem:$0x3FAC]  }
0x2c: {  	s7 =	sld [smem:$0x3FAD]  }
0x2d: {  	s3 =	simm.s32 $0x108;
	s8 =	sld [smem:$0x3FAE]  }
0x2e: {  	s3 =	simm.s32 @!p0 $0x1082;
	s9 =	sld [smem:$0x3FAF]  }
0x2f: {  	lr =	sadd.s32 s0, s3;
	s0 =	sld [smem:$0x3FA6]  }
0x30: {  	s3 =	sld [smem:$0x3FA9]  }
0x31: {  	[smem:$0x3FB2] =	sst s10  }
0x32: {  	s10 =	sld [smem:$0x3FB0];
	_ =	sdelay $0x3  }
0x33: {  	p0 =	seq.s32 s10, $0x1;
	s10 =	sld [smem:$0x3FB2];
	_ =	sdelay $0x3  }
0x34: {  	[smem:$0x3FB2] =	sst s10  }
0x35: {  	s10 =	sld [smem:$0x3FB1];
	_ =	sdelay $0x3  }
0x36: {  	p1 =	seq.s32 s10, $0x1;
	s10 =	sld [smem:$0x3FB2];
	_ =	sdelay $0x3  }
0x37: {  	[smem:$0x3FB2] =	sst s10  }
0x38: {  	s10 =	sld [smem:$0x3FB3]  }
0x39: {  	_ = 	snop;
	(pc) =	sbr.ind lr, $3  }
0x3a: {  	_ = 	snop  }
0x3b: {  	_ = 	snop  }
0x3c: {  	p2 =	seq.s32 s10, $0x1;
	s10 =	sld [smem:$0x3FB2]  }
0x3d: {  	_ =	shalt  }
0x3e: {  	_ =	shalt  }
0x3f: {  	_ =	shalt  }
0x40: {  	_ =	shalt  }
0x41: {  	_ =	shalt  }
0x42: {  	_ =	shalt  }
0x43: {  	_ =	shalt  }
0x44: {  	_ =	shalt  }
0x45: {  	_ =	shalt  }
0x46: {  	_ =	shalt  }
0x47: {  	_ =	shalt  }
0x48: {  	_ =	shalt  }
0x49: {  	_ =	shalt  }
0x4a: {  	_ =	shalt  }
0x4b: {  	_ =	shalt  }
0x4c: {  	_ =	shalt  }
0x4d: {  	_ =	shalt  }
0x4e: {  	_ =	shalt  }
0x4f: {  	_ =	shalt  }
0x50: {  	_ =	shalt  }
0x51: {  	_ =	shalt  }
0x52: {  	_ =	shalt  }
0x53: {  	_ =	shalt  }
0x54: {  	_ =	shalt  }
0x55: {  	_ =	shalt  }
0x56: {  	_ =	shalt  }
0x57: {  	_ =	shalt  }
0x58: {  	_ =	shalt  }
0x59: {  	_ =	shalt  }
0x5a: {  	_ =	shalt  }
0x5b: {  	_ =	shalt  }
0x5c: {  	_ =	shalt  }
0x5d: {  	_ =	shalt  }
0x5e: {  	_ =	shalt  }
0x5f: {  	_ =	shalt  }
0x60: {  	_ =	shalt  }
0x61: {  	_ =	shalt  }
0x62: {  	_ =	shalt  }
0x63: {  	_ =	shalt  }
0x64: {  	_ =	shalt  }
0x65: {  	_ =	shalt  }
0x66: {  	_ =	shalt  }
0x67: {  	_ =	shalt  }
0x68: {  	_ =	shalt  }
0x69: {  	_ =	shalt  }
0x6a: {  	_ =	shalt  }
0x6b: {  	_ =	shalt  }
0x6c: {  	_ =	shalt  }
0x6d: {  	_ =	shalt  }
0x6e: {  	_ =	shalt  }
0x6f: {  	_ =	shalt  }
0x70: {  	_ =	shalt  }
0x71: {  	_ =	shalt  }
0x72: {  	_ =	shalt  }
0x73: {  	_ =	shalt  }
0x74: {  	_ =	shalt  }
0x75: {  	_ =	shalt  }
0x76: {  	_ =	shalt  }
0x77: {  	_ =	shalt  }
0x78: {  	_ =	shalt  }
0x79: {  	_ =	shalt  }
0x7a: {  	_ =	shalt  }
0x7b: {  	_ =	shalt  }
0x7c: {  	_ =	shalt  }
0x7d: {  	_ =	shalt  }
0x7e: {  	_ =	shalt  }
0x7f: {  	_ =	shalt  }
0x80: {  	_ =	shalt  }
0x81: {  	_ =	shalt  }
0x82: {  	_ =	shalt  }
0x83: {  	_ =	shalt  }
0x84: {  	_ =	shalt  }
0x85: {  	_ =	shalt  }
0x86: {  	_ =	shalt  }
0x87: {  	_ =	shalt  }
.Lfunc_end0:
.L_simem_size_0:
called_computation.1_lowered:
.L_overlay_start_0:
0x88: {  	s2 =	sld [smem:$0x3FD9]  }
0x89: {  	s3 =	sld [smem:$0x3FFE];
	_ =	sdelay $0x1  }
0x8a: {  	s1 =	srdreg.scid  }
0x8b: {  	s0 =	sand.u32 $0x1, s1  }
0x8c: {  	s17 =	sshll.u32 s0, $0xA;
	s2 =	sadd.s32 s3, s2  }
0x8d: {  	s2 =	sadd.s32 s2, s17  }
0x8e: {  	[smem:$0x3FBE] =	sst s2  }
0x8f: {  	_ = 	snop  }
0x90: {  	s2 =	sld [smem:$0x3FD0];
	(tm) =	ssettm $0x1  }
0x91: {  	s18 =	sld [smem:$0x3FFB];
	_ =	sdelay $0x3  }
0x92: {  	_ =	strace s18  }
0x93: {  	s3 =	sld [smem:$0x3FFC];
	_ =	sdelay $0x3  }
0x94: {  	_ =	strace s3  }
0x95: {  	s3 =	sld [smem:$0x3FFD];
	_ =	sdelay $0x3  }
0x96: {  	_ =	strace s3  }
0x97: {  	_ =	strace $0x8FFFFFFF  }
0x98: {  	s19 =	sld [smem:$0x3FDB];
	_ =	sdelay $0x1  }
0x99: {  	s4 =	simm.s32 $_scs_section_size  }
0x9a: {  	s5 =	simm.s32 $_size__tile_overlayer_lowered;
	s6 =	simm.s32 $_tile_overlayer_lowered  }
0x9b: {  	s22 =	simm.s32 $0x1BFF;
	s21 =	sshll.u32 s6, $0x1;
	s3 =	sadd.s32 s4, s19  }
0x9c: {  	s7 =	simm.s32 $0x0;
	s20 =	sshll.u32 s5, $0x1;
	s5 =	sadd.s32 s21, s3  }
0x9d: {  	[timem:s7], [sflag:s22] =	dma.local [hbm:s5], s20  }
0x9e: {  	_ =	swait.ge [sflag:s22], s20  }
0x9f: {  	s4 =	ssub.s32 $0x0, s20;
	[sflag:s22] =	ssyncset.done $0x0  }
0xa0: {  	[sflag:s22] =	ssyncadd.s32 s4;
	_ =	sdelay $0x1  }
0xa1: {  	s23 =	simm.s32 $0x1B8B  }
0xa2: {  	_ =	swait.ge [sflag:s23], $0x1  }
0xa3: {  	[sflag:s23] =	ssyncset.done $0x0  }
0xa4: {  	s25 =	simm.s32 $0x1B8E;
	s24 =	sld [smem:$0x3FFE];
	[sflag:s23] =	ssyncadd.s32 $0xFFFFFFFF  }
0xa5: {  	s26 =	simm.s32 $execute0_lowered;
	[smem:$0x3FD2] =	sst s25  }
0xa6: {  	s5 =	sshll.u32 s26, $0x1;
	_ =	strace $0x80000049;
	[dreg:$0x1] =	wrdreg $0xFFFFFFFF  }
0xa7: {  	s28 =	simm.s32 $_size_execute0_lowered;
	s3 =	sadd.s32 s3, s5;
	[dreg:$0x0] =	wrdreg $0x0  }
0xa8: {  	s5 =	sshll.u32 s28, $0x1;
	[dreg:$0x2] =	wrdreg s3  }
0xa9: {  	[dreg:$0x3] =	wrdreg s5  }
0xaa: {  	[dreg:$0x4] =	wrdreg $0xC0  }
0xab: {  	_ =	task [dreg:s7], $0x5FFFF  }
0xac: {  	[dreg:$0x1] =	wrdreg $0xFFFFFFFF  }
0xad: {  	[dreg:$0x0] =	wrdreg $0x60  }
0xae: {  	[dreg:$0x2] =	wrdreg s24  }
0xaf: {  	[dreg:$0x3] =	wrdreg s2  }
0xb0: {  	[dreg:$0x4] =	wrdreg $0xA1000  }
0xb1: {  	[dreg:$0x5] =	wrdreg $0x9  }
0xb2: {  	_ =	task.clear_ibuf [dreg:s7], $0x6FFFF;
	_ =	strace $0x90000049  }
0xb3: {  	s29 =	simm.s32 $0x9;
	_ =	strace $0x8000004B  }
0xb4: {  	_ =	swait.ge [sflag:s29], $0x1  }
0xb5: {  	[sflag:s29] =	ssyncadd.s32 $0xFFFFFFFF  }
0xb6: {  	_ =	strace $0x9000004B  }
0xb7: {  	_ =	sfence  }
0xb8: {  	s30 =	sld [smem:$0x0];
	_ =	sdelay $0x2  }
0xb9: {  	s31 =	sshll.u32 s1, $0xD;
	s1 =	sshrl.u32 s1, $0x2  }
0xba: {  	s3 =	sand.u32 $0x4000, s31;
	s1 =	sadd.s32 s1, s30  }
0xbb: {  	s0 =	sor.u32 s3, s0;
	s1 =	sshll.u32 s1, $0x11  }
0xbc: {  	s0 =	sor.u32 s1, s0  }
0xbd: {  	s0 =	sadd.s32 $0x8F2B, s0  }
0xbe: {  	[sflag:s0] =	ssyncadd.remote.s32 $0x1  }
0xbf: {  	_ =	sfence.sel $0xFFFF  }
0xc0: {  	[dreg:$0x0] =	wrdreg $0xFFFFFFFF;
	(pc) =	sbr.abs _section_cstart, $3  }
0xc1: {  	[dreg:$0x1] =	wrdreg $0xFFFFFFFF  }
0xc2: {  	_ =	task.clear_ibuf [dreg:s7], $0x2FFFF;
	_ =	strace $0x9FFFFFFF  }
0xc3: {  	(tm) =	ssettm $0x7FFFFFFF  }
tec
execute0_lowered:
.L_overlay_start_1:
0x0: {  	(tag) =	ssettag $0x1  }
0x1: {  	s0 =	rddreg [dreg:$0x0]  }
0x2: {  	s2 =	rddreg [dreg:$0x1];
	s1 =	srdreg.scid  }
0x3: {  	s11 =	stileid.u32;
	s3 =	rddreg [dreg:$0x2]  }
0x4: {  	s4 =	simm.s32 $0x0;
	s15 =	simm.s32 $0xB;
	s16 =	simm.s32 $0x1  }
0x5: {  	s17 =	simm.s32 $0x2780;
	s18 =	simm.s32 $0x50;
	s28 =	simm.s32 $0x9  }
0x6: {  	s29 =	simm.s32 $0x3;
	s30 =	simm.s32 $0x5;
	s5 =	smul.u32 $0x278, s11  }
0x7: {  	s31 =	simm.s32 $0x6;
	s1 =	sand.u32 $0x1, s1;
	s8 =	smul.u32 $0x2710, s11  }
0x8: {  	[smem:$0x7FF] =	sst s4;
	s9 =	sadd.s32 $0x3200, s0;
	s23 =	smul.u32 $0x4E2, s11  }
0x9: {  	s22 =	sshll.u32 s11, $0x6;
	s6 =	smul.u32 $0x2710, s1;
	s1 =	ssub.s32 $0x2, s1  }
0xa: {  	_ =	strace $0x8000004A;
	s5 =	smin.u32 s5, $0x2498;
	s10 =	sshrl.u32 s1, $0x1  }
0xb: {  	s8 =	sshrl.u32 s8, $0x3;
	s13 =	sadd.s32 s23, s9;
	s23 =	simm.s32 $0x4  }
0xc: {  	s7 =	sadd.s32 s6, s5;
	s1 =	ssub.s32 s1, s10;
	s19 =	sshll.u32 s5, $0x7  }
0xd: {  	s20 =	sadd.s32 s9, s8;
	v0 =	vmov s6;
	s6 =	simm.s32 $0x0;
	s7 =	sshll.u32 s7, $0x4  }
0xe: {  	s21 =	sadd.s32 s19, s3;
	s24 =	sadd.s32 $0x4E20, s20;
	s25 =	sadd.s32 $0x4E2A, s20  }
0xf: {  	[dreg:$0x4] =	wrdreg s20;
	s5 =	sadd.s32 $0x4E34, s20;
	s26 =	smax.u32 s1, $0x1  }
0x10: {  	s19 =	simm.s32 $0x2900;
	s20 =	simm.s32 $0x2800;
	[dreg:$0x6] =	wrdreg s24  }
0x11: {  	s1 =	simm.s32 $0x7;
	s0 =	sadd.s32 s7, s0;
	[dreg:$0x7] =	wrdreg s25  }
.Ltmp0:
0x12: {  	s7 =	sadd.s32 s2, s7;
	[dreg:$0x8] =	wrdreg s5;
	(pc) =	sbr.rel .LBB2_1-.Ltmp0, $4  }
0x13: {  	[dreg:$0xa] =	wrdreg s26;
	s14 =	sshrl.u32 s21, $0x3;
	s21 =	simm.s32 $0x5100  }
0x14: {  	s24 =	simm.s32 $0x7900;
	s25 =	simm.s32 $0x8;
	s26 =	simm.s32 $0x2  }
0x15: {  	[dreg:$0x5] =	wrdreg s7;
	s7 =	sor.u32 $0x1C0B, s22;
	s0 =	sadd.s32 $0x5B200, s0  }
0x16: {  	s22 =	simm.s32 $0x2880;
	[dreg:$0x9] =	wrdreg s0;
	s0 =	simm.s32 $0xA  }
.LBB2_8:
0x17: {  	_ =	swait.ge [sflag:s28], $0x50  }
0x18: {  	[sflag:s28] =	ssyncset.done $0x0  }
0x19: {  	[sflag:s28] =	ssyncadd.s32 $0xFFFFFFB0  }
0x1a: {  	_ =	swait.ge [sflag:s29], $0x2800  }
0x1b: {  	[sflag:s29] =	ssyncset.done $0x0  }
0x1c: {  	[sflag:s29] =	ssyncadd.s32 $0xFFFFD800  }
0x1d: {  	[spmem:s3] =	stream.indirect.scatter.add.f32 [tilespmem:s21], [sflag:$0x6], $0x80, s20, s18, $0xb8;
	[tilespmem:$0x1D980] =	vst v63  }
.LBB2_6:
0x1e: {  	_ =	swait.ge [sflag:s30], $0x2800  }
0x1f: {  	[sflag:s30] =	ssyncset.done $0x0  }
0x20: {  	[sflag:s30] =	ssyncadd.s32 $0xFFFFD800  }
0x21: {  	_ =	swait.ge [sflag:s31], $0x2800  }
0x22: {  	[sflag:s31] =	ssyncset.done $0x0  }
0x23: {  	[sflag:s31] =	ssyncadd.s32 $0xFFFFD800  }
0x24: {  	_ =	swait.ge [sflag:s1], $0x2800  }
0x25: {  	[sflag:s1] =	ssyncset.done $0x0  }
0x26: {  	[sflag:s1] =	ssyncadd.s32 $0xFFFFD800  }
0x27: {  	[bflag:$0x0] =	sbarrier.arrive $0xFFFF  }
0x28: {  	s5 =	rddreg [dreg:$0x9]  }
0x29: {  	[hbm:s5], [sflag:s7] =	dma.local [spmem:s14], $0x2780  }
0x2a: {  	_ =	swait.ge [sflag:s15], $0x2780  }
0x2b: {  	s6 =	sadd.s32 $0x1, s6;
	s12 =	rddreg [dreg:$0xa]  }
0x2c: {  	p0 =	sne.s32 s6, s12  }
.Ltmp1:
0x2d: {  	_ = 	snop;
	(pc) =	sbr.rel @!p0 .LBB2_7-.Ltmp1, $3  }
0x2e: {  	_ =	sdelay $0x1  }
0x2f: {  	[sflag:s15] =	ssyncset.done $0x0  }
0x30: {  	[sflag:s15] =	ssyncadd.s32 $0xFFFFD880  }
.LBB2_1:
0x31: {  	s5 =	rddreg [dreg:$0x4]  }
0x32: {  	s12 =	rddreg [dreg:$0x5]  }
0x33: {  	[tilespmem:s4], [sflag:$0x1] =	stream.linear.gather [hbm4b:s5+s4], $0x2710, $0x38;
	[tilespmem:$0x1D980] =	vst v63  }
0x34: {  	[spmem:s14], [sflag:s7] =	dma.local [hbm:s12], $0x2780  }
0x35: {  	_ =	swait.ge [sflag:s15], $0x2780  }
0x36: {  	[sflag:s15] =	ssyncset.done $0x0  }
0x37: {  	[sflag:s15] =	ssyncadd.s32 $0xFFFFD880  }
0x38: {  	_ =	swait.ge [sflag:s16], $0x2710  }
0x39: {  	[sflag:s16] =	ssyncset.done $0x0  }
0x3a: {  	s8 =	simm.s32 $0x0;
	s9 =	simm.s32 $0x40;
	[sflag:s16] =	ssyncadd.s32 $0xFFFFD8F0  }
.LBB2_2:
0x3b: {  	p0 =	sne.s32 s9, $0x9C00;
	v1 =	vld [tilespmem:s8+$0x0];
	_ =	sdelay $0x1  }
.Ltmp2:
0x3c: {  	(pc) =	sbr.rel @p0 .LBB2_2-.Ltmp2, $3  }
0x3d: {  	_ =	sdelay $0x1  }
0x3e: {  	v1 =	vadd.s32 v0, v1  }
0x3f: {  	[tilespmem:s8+$0x0] =	vst v1;
	s8 =	sshra.s32 s9, $0x2;
	s9 =	sadd.s32 $0x40, s9  }
0x40: {  	v1 =	vld [tilespmem:s8+$0x0];
	_ =	sdelay $0x4  }
0x41: {  	v1 =	vadd.s32 v0, v1  }
0x42: {  	[tilespmem:s8+$0x0] =	vst v1  }
0x43: {  	[bflag:$0x0] =	sbarrier.arrive $0xFFFF  }
0x44: {  	s8 =	simm.s32 $0x0;
	s5 =	rddreg [dreg:$0x6]  }
0x45: {  	[tilespmem:s17], [sflag:$0x8] =	stream.linear.gather [hbm4b:s5+s8], $0x50, $0x38;
	[tilespmem:$0x1D980] =	vst v63  }
0x46: {  	_ = 	snop  }
0x47: {  	[tilespmem:s19], [sflag:$0x2] =	stream.indirect.gather [hbm4b:s2+s18], $0x80, s8, s18, $0xb8;
	[tilespmem:$0x1D980] =	vst v63  }
0x48: {  	s10 =	rddreg [dreg:$0x7]  }
0x49: {  	[tilespmem:s20], [sflag:$0x9] =	stream.linear.gather [hbm4b:s10+s8], $0x50, $0x38;
	[tilespmem:$0x1D980] =	vst v63  }
0x4a: {  	_ = 	snop  }
0x4b: {  	[tilespmem:s21], [sflag:$0x3] =	stream.indirect.gather [hbm4b:s2+s18], $0x80, s18, s18, $0xb8;
	[tilespmem:$0x1D980] =	vst v63  }
0x4c: {  	s11 =	rddreg [dreg:$0x8]  }
0x4d: {  	[tilespmem:s22], [sflag:$0xA] =	stream.linear.gather [hbm4b:s11+s8], $0x50, $0x38;
	[tilespmem:$0x1D980] =	vst v63  }
0x4e: {  	s12 =	simm.s32 $0xA0;
	s9 =	simm.s32 $0x190;
	s10 =	simm.s32 $0x0  }
0x4f: {  	[tilespmem:s24], [sflag:$0x4] =	stream.indirect.gather [hbm4b:s2+s18], $0x80, s12, s18, $0xb8;
	[tilespmem:$0x1D980] =	vst v63  }
.LBB2_4:
0x50: {  	_ =	swait.ge [sflag:s25], $0x50  }
0x51: {  	p0 =	seq.s32 s8, $0x4CE;
	[sflag:s25] =	ssyncset.done $0x0  }
.Ltmp3:
0x52: {  	[sflag:s25] =	ssyncadd.s32 $0xFFFFFFB0;
	(pc) =	sbr.rel @p0 .LBB2_8-.Ltmp3, $4  }
0x53: {  	_ =	swait.ge [sflag:s26], $0x2800  }
0x54: {  	[sflag:s26] =	ssyncset.done $0x0  }
0x55: {  	[sflag:s26] =	ssyncadd.s32 $0xFFFFD800  }
0x56: {  	[spmem:s3] =	stream.indirect.scatter.add.f32 [tilespmem:s19], [sflag:$0x5], $0x80, s17, s18, $0xb8;
	[tilespmem:$0x1D980] =	vst v63  }
0x57: {  	_ =	swait.ge [sflag:s30], $0x2800  }
0x58: {  	s11 =	sadd.s32 s8, s13;
	[sflag:s30] =	ssyncset.done $0x0  }
0x59: {  	s12 =	sadd.s32 $0x4E3E, s11;
	[sflag:s30] =	ssyncadd.s32 $0xFFFFD800  }
0x5a: {  	[tilespmem:s17], [sflag:$0x8] =	stream.linear.gather [hbm4b:s12+s4], $0x50, $0x38;
	[tilespmem:$0x1D980] =	vst v63  }
0x5b: {  	s5 =	sadd.s32 $0xFFFFFF60, s9  }
0x5c: {  	[tilespmem:s19], [sflag:$0x2] =	stream.indirect.gather [hbm4b:s2+s18], $0x80, s5, s18, $0xb8;
	[tilespmem:$0x1D980] =	vst v63  }
0x5d: {  	_ =	swait.ge [sflag:s28], $0x50  }
0x5e: {  	[sflag:s28] =	ssyncset.done $0x0  }
0x5f: {  	[sflag:s28] =	ssyncadd.s32 $0xFFFFFFB0  }
0x60: {  	_ =	swait.ge [sflag:s29], $0x2800  }
0x61: {  	[sflag:s29] =	ssyncset.done $0x0  }
0x62: {  	[sflag:s29] =	ssyncadd.s32 $0xFFFFD800  }
0x63: {  	[spmem:s3] =	stream.indirect.scatter.add.f32 [tilespmem:s21], [sflag:$0x6], $0x80, s20, s18, $0xb8;
	[tilespmem:$0x1D980] =	vst v63  }
0x64: {  	_ =	swait.ge [sflag:s31], $0x2800  }
0x65: {  	[sflag:s31] =	ssyncset.done $0x0  }
0x66: {  	s11 =	sadd.s32 $0x4E48, s11;
	[sflag:s31] =	ssyncadd.s32 $0xFFFFD800  }
0x67: {  	[tilespmem:s20], [sflag:$0x9] =	stream.linear.gather [hbm4b:s11+s4], $0x50, $0x38;
	[tilespmem:$0x1D980] =	vst v63  }
0x68: {  	s12 =	sadd.s32 $0xFFFFFFB0, s9  }
0x69: {  	[tilespmem:s21], [sflag:$0x3] =	stream.indirect.gather [hbm4b:s2+s18], $0x80, s12, s18, $0xb8;
	[tilespmem:$0x1D980] =	vst v63  }
0x6a: {  	_ =	swait.ge [sflag:s0], $0x50  }
0x6b: {  	[sflag:s0] =	ssyncset.done $0x0  }
0x6c: {  	[sflag:s0] =	ssyncadd.s32 $0xFFFFFFB0  }
0x6d: {  	_ =	swait.ge [sflag:s23], $0x2800  }
0x6e: {  	p0 =	sgt.u32 s10, $0x27;
	[sflag:s23] =	ssyncset.done $0x0  }
0x6f: {  	s11 =	simm.s32 @!p0 $0x7;
	[sflag:s23] =	ssyncadd.s32 $0xFFFFD800  }
0x70: {  	[spmem:s3] =	stream.indirect.scatter.add.f32 [tilespmem:s24], [sflag:$0x7], $0x80, s22, s18, $0xb8;
	[tilespmem:$0x1D980] =	vst v63  }
0x71: {  	_ =	swait.ge @!p0 [sflag:s11], $0x2800  }
0x72: {  	[sflag:s11] =	ssyncset.done @!p0 $0x0  }
0x73: {  	[sflag:s11] =	ssyncadd.s32 @!p0 $0xFFFFD800;
	s11 =	sadd.s32 @!p0 s8, s13  }
0x74: {  	s5 =	simm.s32 @!p0 $0x2880;
	s12 =	simm.s32 @!p0 $0x0;
	s11 =	sadd.s32 @!p0 $0x4E52, s11  }
0x75: {  	[tilespmem:s5], [sflag:$0xA] =	stream.linear.gather @!p0 [hbm4b:s11+s12], $0x50, $0x38;
	[tilespmem:$0x1D980] =	vst v63  }
0x76: {  	s8 =	sadd.s32 $0x1E, s8;
	s5 =	simm.s32 @!p0 $0x50;
	s11 =	simm.s32 @!p0 $0x7900  }
0x77: {  	[tilespmem:s11], [sflag:$0x4] =	stream.indirect.gather @!p0 [hbm4b:s2+s5], $0x80, s9, s5, $0xb8;
	[tilespmem:$0x1D980] =	vst v63  }
0x78: {  	p0 =	sne.s32 s8, $0x4EC  }
.Ltmp4:
0x79: {  	_ = 	snop;
	(pc) =	sbr.rel @p0 .LBB2_4-.Ltmp4, $4  }
.Ltmp5:
0x7a: {  	_ = 	snop;
	(pc) =	sbr.rel @!p0 .LBB2_6-.Ltmp5, $4  }
0x7b: {  	_ = 	snop  }
0x7c: {  	_ = 	snop  }
0x7d: {  	s10 =	sadd.s32 $0x1, s10;
	s9 =	sadd.s32 $0xF0, s9  }
0x7e: {  	_ = 	snop  }
.LBB2_7:
0x7f: {  	_ =	sfence.sel $0x180000  }
0x80: {  	[bflag:$0x0] =	sbarrier.arrive $0xFFFF  }
0x81: {  	_ =	strace $0x9000004A  }
0x82: {  	s0 =	stileid.u32;
	[bflag:$0x2] =	sbarrier.arrive $0xFFFF  }
0x83: {  	p0 =	sne.s32 s0, $0x0;
	s0 =	rddreg [dreg:$0x3]  }
0x84: {  	s0 =	sadd.s32 @!p0 $0x100000, s0  }
0x85: {  	[sflag:s0] =	ssyncadd.tile.s32 @!p0 $0x1;
	_ =	shalt  }
.Lfunc_end2:
_tile_overlayer_lowered:
.L_overlay_start_2:
0x86: {  	(tag) =	ssettag $0x2  }
0x87: {  	s0 =	rddreg [dreg:$0x0];
	s2 =	stileid.u32  }
0x88: {  	s1 =	rddreg [dreg:$0x1];
	p0 =	sne.s32 s2, $0x0  }
0x89: {  	s3 =	rddreg [dreg:$0x2];
	[bflag:$0x3] =	sbarrier.arrive $0xFFFF;
	s2 =	simm.s32 @!p0 $0x1C0B  }
0x8a: {  	[timem:s3], [sflag:s2] =	dma.local @!p0 [hbm:s0], s1  }
0x8b: {  	s0 =	simm.s32 @!p0 $0xB  }
0x8c: {  	_ =	swait.ge @!p0 [sflag:s0], s1  }
0x8d: {  	s1 =	ssub.s32 @!p0 $0x0, s1;
	[sflag:s0] =	ssyncset.done @!p0 $0x0  }
0x8e: {  	[sflag:s0] =	ssyncadd.s32 @!p0 s1  }
0x8f: {  	[bflag:$0x3] =	sbarrier.arrive $0xFFFF  }
0x90: {  	_ =	shalt  }

// kernel: kernel.16.cloned.1.call-start
scs
__scs_entry_jumppad:
0x0: {  	(pc) =	sbr.rel $0x88, $3  }
0x1: {  	(tag) =	ssettag $0x0;
	lr =	simm.s32 $0x1  }
0x2: {  	[smem:$0x3F97] =	sst lr;
	_ =	strace $0xD0000000  }
0x3: {  	_ = 	snop  }
0x4: {  	_ = 	snop  }
0x5: {  	_ = 	snop  }
0x6: {  	_ = 	snop  }
0x7: {  	_ = 	snop  }
__scs_overlays_trampoline_lowered:
0x8: {  	[smem:$0x3FA6] =	sst s0  }
0x9: {  	[smem:$0x3FA7] =	sst s1  }
0xa: {  	[smem:$0x3FA8] =	sst s2  }
0xb: {  	[smem:$0x3FA9] =	sst s3  }
0xc: {  	[smem:$0x3FAA] =	sst s4  }
0xd: {  	[smem:$0x3FAB] =	sst s5  }
0xe: {  	[smem:$0x3FAC] =	sst s6  }
0xf: {  	[smem:$0x3FAD] =	sst s7  }
0x10: {  	[smem:$0x3FAE] =	sst s8  }
0x11: {  	[smem:$0x3FAF] =	sst s9;
	s0 =	simm.s32 @!p0 $0x0  }
0x12: {  	s1 =	sld [smem:$0x3F95];
	s0 =	simm.s32 @p0 $0x1  }
0x13: {  	[smem:$0x3FB0] =	sst s0;
	s0 =	simm.s32 @!p1 $0x0  }
0x14: {  	s2 =	sld [smem:$0x3F94];
	s0 =	simm.s32 @p1 $0x1  }
0x15: {  	[smem:$0x3FB1] =	sst s0;
	s0 =	simm.s32 @!p2 $0x0  }
0x16: {  	s3 =	sld [smem:$0x3FDB];
	s0 =	simm.s32 @p2 $0x1  }
0x17: {  	s4 =	simm.s32 $0x1BF5;
	[smem:$0x3FB3] =	sst s0  }
0x18: {  	s0 =	sld [smem:$0x3F96];
	_ =	swait.ge [sflag:s4], $0x0  }
0x19: {  	s7 =	sld [smem:$0x3F97]  }
0x1a: {  	s8 =	sadd.s32 $0xFFFFE003, lr  }
0x1b: {  	s9 =	sadd.s32 $0xFFFFFEF7, lr;
	s5 =	simm.s32 $0xFFFFFFFF;
	p2 =	slt.u32 s8, $0xFFFFF086  }
0x1c: {  	p1 =	slt.u32 s9, $0xF7A;
	s5 =	simm.s32 @!p2 $0x0  }
0x1d: {  	s5 =	simm.s32 @p1 $0x1;
	p0 =	seq.s32 s7, s2  }
0x1e: {  	s7 =	smul.u32 @!p0 $0xF7A, s2;
	p2 =	seq.s32 @!p0 s5, $0x0  }
0x1f: {  	s9 =	smul.u32 $0xF7A, s1;
	s8 =	simm.s32 @!p0 $0x1BF5;
	p2 =	por !p2, p0  }
0x20: {  	[sflag:s8] =	ssyncset.s32 @!p0 $0xFFFFF086;
	s6 =	sadd.s32 @!p0 s3, s7;
	s7 =	simm.s32 @!p0 $0x108  }
0x21: {  	s3 =	sadd.s32 s3, s9;
	s6 =	sadd.s32 @!p0 $0x88, s6;
	s7 =	simm.s32 @p2 $0x1082  }
0x22: {  	[simem:s7], [sflag:s8] =	dma.local @!p0 [hbm:s6], $0xF7A  }
0x23: {  	s9 =	sor.u32 $0xD0000000, s2;
	s6 =	simm.s32 $0x108;
	_ =	swait.ge @!p0 [sflag:s8], $0x0  }
0x24: {  	s3 =	sadd.s32 $0x88, s3;
	s6 =	simm.s32 @!p1 $0x1082;
	[sflag:s4] =	ssyncset.s32 $0xFFFFF086  }
0x25: {  	[simem:s6], [sflag:s4] =	dma.local [hbm:s3], $0xF7A  }
0x26: {  	[smem:$0x3F97] =	sst s1;
	(tag) =	ssettag s2;
	_ =	strace s9  }
0x27: {  	s1 =	sld [smem:$0x3FA7]  }
0x28: {  	s2 =	sld [smem:$0x3FA8]  }
0x29: {  	s4 =	sld [smem:$0x3FAA]  }
0x2a: {  	p0 =	seq.s32 s5, $0x0;
	s5 =	sld [smem:$0x3FAB]  }
0x2b: {  	s6 =	sld [smem:$0x3FAC]  }
0x2c: {  	s7 =	sld [smem:$0x3FAD]  }
0x2d: {  	s3 =	simm.s32 $0x108;
	s8 =	sld [smem:$0x3FAE]  }
0x2e: {  	s3 =	simm.s32 @!p0 $0x1082;
	s9 =	sld [smem:$0x3FAF]  }
0x2f: {  	lr =	sadd.s32 s0, s3;
	s0 =	sld [smem:$0x3FA6]  }
0x30: {  	s3 =	sld [smem:$0x3FA9]  }
0x31: {  	[smem:$0x3FB2] =	sst s10  }
0x32: {  	s10 =	sld [smem:$0x3FB0];
	_ =	sdelay $0x3  }
0x33: {  	p0 =	seq.s32 s10, $0x1;
	s10 =	sld [smem:$0x3FB2];
	_ =	sdelay $0x3  }
0x34: {  	[smem:$0x3FB2] =	sst s10  }
0x35: {  	s10 =	sld [smem:$0x3FB1];
	_ =	sdelay $0x3  }
0x36: {  	p1 =	seq.s32 s10, $0x1;
	s10 =	sld [smem:$0x3FB2];
	_ =	sdelay $0x3  }
0x37: {  	[smem:$0x3FB2] =	sst s10  }
0x38: {  	s10 =	sld [smem:$0x3FB3]  }
0x39: {  	_ = 	snop;
	(pc) =	sbr.ind lr, $3  }
0x3a: {  	_ = 	snop  }
0x3b: {  	_ = 	snop  }
0x3c: {  	p2 =	seq.s32 s10, $0x1;
	s10 =	sld [smem:$0x3FB2]  }
0x3d: {  	_ =	shalt  }
0x3e: {  	_ =	shalt  }
0x3f: {  	_ =	shalt  }
0x40: {  	_ =	shalt  }
0x41: {  	_ =	shalt  }
0x42: {  	_ =	shalt  }
0x43: {  	_ =	shalt  }
0x44: {  	_ =	shalt  }
0x45: {  	_ =	shalt  }
0x46: {  	_ =	shalt  }
0x47: {  	_ =	shalt  }
0x48: {  	_ =	shalt  }
0x49: {  	_ =	shalt  }
0x4a: {  	_ =	shalt  }
0x4b: {  	_ =	shalt  }
0x4c: {  	_ =	shalt  }
0x4d: {  	_ =	shalt  }
0x4e: {  	_ =	shalt  }
0x4f: {  	_ =	shalt  }
0x50: {  	_ =	shalt  }
0x51: {  	_ =	shalt  }
0x52: {  	_ =	shalt  }
0x53: {  	_ =	shalt  }
0x54: {  	_ =	shalt  }
0x55: {  	_ =	shalt  }
0x56: {  	_ =	shalt  }
0x57: {  	_ =	shalt  }
0x58: {  	_ =	shalt  }
0x59: {  	_ =	shalt  }
0x5a: {  	_ =	shalt  }
0x5b: {  	_ =	shalt  }
0x5c: {  	_ =	shalt  }
0x5d: {  	_ =	shalt  }
0x5e: {  	_ =	shalt  }
0x5f: {  	_ =	shalt  }
0x60: {  	_ =	shalt  }
0x61: {  	_ =	shalt  }
0x62: {  	_ =	shalt  }
0x63: {  	_ =	shalt  }
0x64: {  	_ =	shalt  }
0x65: {  	_ =	shalt  }
0x66: {  	_ =	shalt  }
0x67: {  	_ =	shalt  }
0x68: {  	_ =	shalt  }
0x69: {  	_ =	shalt  }
0x6a: {  	_ =	shalt  }
0x6b: {  	_ =	shalt  }
0x6c: {  	_ =	shalt  }
0x6d: {  	_ =	shalt  }
0x6e: {  	_ =	shalt  }
0x6f: {  	_ =	shalt  }
0x70: {  	_ =	shalt  }
0x71: {  	_ =	shalt  }
0x72: {  	_ =	shalt  }
0x73: {  	_ =	shalt  }
0x74: {  	_ =	shalt  }
0x75: {  	_ =	shalt  }
0x76: {  	_ =	shalt  }
0x77: {  	_ =	shalt  }
0x78: {  	_ =	shalt  }
0x79: {  	_ =	shalt  }
0x7a: {  	_ =	shalt  }
0x7b: {  	_ =	shalt  }
0x7c: {  	_ =	shalt  }
0x7d: {  	_ =	shalt  }
0x7e: {  	_ =	shalt  }
0x7f: {  	_ =	shalt  }
0x80: {  	_ =	shalt  }
0x81: {  	_ =	shalt  }
0x82: {  	_ =	shalt  }
0x83: {  	_ =	shalt  }
0x84: {  	_ =	shalt  }
0x85: {  	_ =	shalt  }
0x86: {  	_ =	shalt  }
0x87: {  	_ =	shalt  }
.Lfunc_end0:
.L_simem_size_0:
called_computation.2_lowered:
.L_overlay_start_0:
0x88: {  	s2 =	sld [smem:$0x3FD9]  }
0x89: {  	s3 =	sld [smem:$0x3FFE];
	_ =	sdelay $0x1  }
0x8a: {  	s1 =	srdreg.scid  }
0x8b: {  	s0 =	sand.u32 $0x1, s1  }
0x8c: {  	s17 =	sshll.u32 s0, $0xA;
	s2 =	sadd.s32 s3, s2  }
0x8d: {  	s2 =	sadd.s32 s2, s17  }
0x8e: {  	[smem:$0x3FBE] =	sst s2  }
0x8f: {  	_ = 	snop  }
0x90: {  	s2 =	sld [smem:$0x3FD0];
	(tm) =	ssettm $0x1  }
0x91: {  	s18 =	sld [smem:$0x3FFB];
	_ =	sdelay $0x3  }
0x92: {  	_ =	strace s18  }
0x93: {  	s3 =	sld [smem:$0x3FFC];
	_ =	sdelay $0x3  }
0x94: {  	_ =	strace s3  }
0x95: {  	s3 =	sld [smem:$0x3FFD];
	_ =	sdelay $0x3  }
0x96: {  	_ =	strace s3  }
0x97: {  	_ =	strace $0x8FFFFFFF  }
0x98: {  	s19 =	sld [smem:$0x3FDB];
	_ =	sdelay $0x1  }
0x99: {  	s4 =	simm.s32 $_scs_section_size  }
0x9a: {  	s5 =	simm.s32 $_size__tile_overlayer_lowered;
	s6 =	simm.s32 $_tile_overlayer_lowered  }
0x9b: {  	s22 =	simm.s32 $0x1BFF;
	s21 =	sshll.u32 s6, $0x1;
	s3 =	sadd.s32 s4, s19  }
0x9c: {  	s7 =	simm.s32 $0x0;
	s20 =	sshll.u32 s5, $0x1;
	s5 =	sadd.s32 s21, s3  }
0x9d: {  	[timem:s7], [sflag:s22] =	dma.local [hbm:s5], s20  }
0x9e: {  	_ =	swait.ge [sflag:s22], s20  }
0x9f: {  	s4 =	ssub.s32 $0x0, s20;
	[sflag:s22] =	ssyncset.done $0x0  }
0xa0: {  	[sflag:s22] =	ssyncadd.s32 s4;
	_ =	sdelay $0x1  }
0xa1: {  	s23 =	simm.s32 $0x1B8B  }
0xa2: {  	_ =	swait.ge [sflag:s23], $0x1  }
0xa3: {  	[sflag:s23] =	ssyncset.done $0x0  }
0xa4: {  	s25 =	simm.s32 $0x1B8E;
	s24 =	sld [smem:$0x3FFE];
	[sflag:s23] =	ssyncadd.s32 $0xFFFFFFFF  }
0xa5: {  	s26 =	simm.s32 $execute0_lowered;
	[smem:$0x3FD2] =	sst s25  }
0xa6: {  	s5 =	sshll.u32 s26, $0x1;
	_ =	strace $0x8000004C;
	[dreg:$0x1] =	wrdreg $0xFFFFFFFF  }
0xa7: {  	s28 =	simm.s32 $_size_execute0_lowered;
	s3 =	sadd.s32 s3, s5;
	[dreg:$0x0] =	wrdreg $0x0  }
0xa8: {  	s5 =	sshll.u32 s28, $0x1;
	[dreg:$0x2] =	wrdreg s3  }
0xa9: {  	[dreg:$0x3] =	wrdreg s5  }
0xaa: {  	[dreg:$0x4] =	wrdreg $0xC0  }
0xab: {  	_ =	task [dreg:s7], $0x5FFFF  }
0xac: {  	[dreg:$0x1] =	wrdreg $0xFFFFFFFF  }
0xad: {  	[dreg:$0x0] =	wrdreg $0x60  }
0xae: {  	[dreg:$0x2] =	wrdreg s24  }
0xaf: {  	[dreg:$0x3] =	wrdreg s2  }
0xb0: {  	[dreg:$0x4] =	wrdreg $0xA1000  }
0xb1: {  	[dreg:$0x5] =	wrdreg $0x9  }
0xb2: {  	_ =	task.clear_ibuf [dreg:s7], $0x6FFFF;
	_ =	strace $0x9000004C  }
0xb3: {  	s29 =	simm.s32 $0x9;
	_ =	strace $0x8000004E  }
0xb4: {  	_ =	swait.ge [sflag:s29], $0x1  }
0xb5: {  	[sflag:s29] =	ssyncadd.s32 $0xFFFFFFFF  }
0xb6: {  	_ =	strace $0x9000004E  }
0xb7: {  	_ =	sfence  }
0xb8: {  	s30 =	sld [smem:$0x0];
	_ =	sdelay $0x2  }
0xb9: {  	s31 =	sshll.u32 s1, $0xD;
	s1 =	sshrl.u32 s1, $0x2  }
0xba: {  	s3 =	sand.u32 $0x4000, s31;
	s1 =	sadd.s32 s1, s30  }
0xbb: {  	s0 =	sor.u32 s3, s0;
	s1 =	sshll.u32 s1, $0x11  }
0xbc: {  	s0 =	sor.u32 s1, s0  }
0xbd: {  	s0 =	sadd.s32 $0x8F2B, s0  }
0xbe: {  	[sflag:s0] =	ssyncadd.remote.s32 $0x1  }
0xbf: {  	_ =	sfence.sel $0xFFFF  }
0xc0: {  	[dreg:$0x0] =	wrdreg $0xFFFFFFFF;
	(pc) =	sbr.abs _section_cstart, $3  }
0xc1: {  	[dreg:$0x1] =	wrdreg $0xFFFFFFFF  }
0xc2: {  	_ =	task.clear_ibuf [dreg:s7], $0x2FFFF;
	_ =	strace $0x9FFFFFFF  }
0xc3: {  	(tm) =	ssettm $0x7FFFFFFF  }
tec
execute0_lowered:
.L_overlay_start_1:
0x0: {  	(tag) =	ssettag $0x1  }
0x1: {  	s0 =	rddreg [dreg:$0x0]  }
0x2: {  	s2 =	rddreg [dreg:$0x1];
	s1 =	srdreg.scid  }
0x3: {  	s11 =	stileid.u32;
	s3 =	rddreg [dreg:$0x2]  }
0x4: {  	s4 =	simm.s32 $0x0;
	s15 =	simm.s32 $0xB;
	s16 =	simm.s32 $0x1  }
0x5: {  	s17 =	simm.s32 $0x2780;
	s18 =	simm.s32 $0x50;
	s28 =	simm.s32 $0x9  }
0x6: {  	s29 =	simm.s32 $0x3;
	s30 =	simm.s32 $0x5;
	s5 =	smul.u32 $0x278, s11  }
0x7: {  	s31 =	simm.s32 $0x6;
	s1 =	sand.u32 $0x1, s1;
	s8 =	smul.u32 $0x2710, s11  }
0x8: {  	[smem:$0x7FF] =	sst s4;
	s9 =	sadd.s32 $0x3200, s0;
	s23 =	smul.u32 $0x4E2, s11  }
0x9: {  	s22 =	sshll.u32 s11, $0x6;
	s6 =	smul.u32 $0x2710, s1;
	s1 =	ssub.s32 $0x2, s1  }
0xa: {  	_ =	strace $0x8000004D;
	s5 =	smin.u32 s5, $0x2498;
	s10 =	sshrl.u32 s1, $0x1  }
0xb: {  	s8 =	sshrl.u32 s8, $0x3;
	s13 =	sadd.s32 s23, s9;
	s23 =	simm.s32 $0x4  }
0xc: {  	s7 =	sadd.s32 s6, s5;
	s1 =	ssub.s32 s1, s10;
	s19 =	sshll.u32 s5, $0x7  }
0xd: {  	s20 =	sadd.s32 s9, s8;
	v0 =	vmov s6;
	s6 =	simm.s32 $0x0;
	s7 =	sshll.u32 s7, $0x4  }
0xe: {  	s21 =	sadd.s32 s19, s3;
	s24 =	sadd.s32 $0x4E20, s20;
	s25 =	sadd.s32 $0x4E2A, s20  }
0xf: {  	[dreg:$0x4] =	wrdreg s20;
	s5 =	sadd.s32 $0x4E34, s20;
	s26 =	smax.u32 s1, $0x1  }
0x10: {  	s19 =	simm.s32 $0x2900;
	s20 =	simm.s32 $0x2800;
	[dreg:$0x6] =	wrdreg s24  }
0x11: {  	s1 =	simm.s32 $0x7;
	s0 =	sadd.s32 s7, s0;
	[dreg:$0x7] =	wrdreg s25  }
.Ltmp0:
0x12: {  	s7 =	sadd.s32 s2, s7;
	[dreg:$0x8] =	wrdreg s5;
	(pc) =	sbr.rel .LBB2_1-.Ltmp0, $4  }
0x13: {  	[dreg:$0xa] =	wrdreg s26;
	s14 =	sshrl.u32 s21, $0x3;
	s21 =	simm.s32 $0x5100  }
0x14: {  	s24 =	simm.s32 $0x7900;
	s25 =	simm.s32 $0x8;
	s26 =	simm.s32 $0x2  }
0x15: {  	[dreg:$0x5] =	wrdreg s7;
	s7 =	sor.u32 $0x1C0B, s22;
	s0 =	sadd.s32 $0x5B200, s0  }
0x16: {  	s22 =	simm.s32 $0x2880;
	[dreg:$0x9] =	wrdreg s0;
	s0 =	simm.s32 $0xA  }
.LBB2_8:
0x17: {  	_ =	swait.ge [sflag:s28], $0x50  }
0x18: {  	[sflag:s28] =	ssyncset.done $0x0  }
0x19: {  	[sflag:s28] =	ssyncadd.s32 $0xFFFFFFB0  }
0x1a: {  	_ =	swait.ge [sflag:s29], $0x2800  }
0x1b: {  	[sflag:s29] =	ssyncset.done $0x0  }
0x1c: {  	[sflag:s29] =	ssyncadd.s32 $0xFFFFD800  }
0x1d: {  	[spmem:s3] =	stream.indirect.scatter.add.f32 [tilespmem:s21], [sflag:$0x6], $0x80, s20, s18, $0xb8;
	[tilespmem:$0x1D980] =	vst v63  }
.LBB2_6:
0x1e: {  	_ =	swait.ge [sflag:s30], $0x2800  }
0x1f: {  	[sflag:s30] =	ssyncset.done $0x0  }
0x20: {  	[sflag:s30] =	ssyncadd.s32 $0xFFFFD800  }
0x21: {  	_ =	swait.ge [sflag:s31], $0x2800  }
0x22: {  	[sflag:s31] =	ssyncset.done $0x0  }
0x23: {  	[sflag:s31] =	ssyncadd.s32 $0xFFFFD800  }
0x24: {  	_ =	swait.ge [sflag:s1], $0x2800  }
0x25: {  	[sflag:s1] =	ssyncset.done $0x0  }
0x26: {  	[sflag:s1] =	ssyncadd.s32 $0xFFFFD800  }
0x27: {  	[bflag:$0x0] =	sbarrier.arrive $0xFFFF  }
0x28: {  	s5 =	rddreg [dreg:$0x9]  }
0x29: {  	[hbm:s5], [sflag:s7] =	dma.local [spmem:s14], $0x2780  }
0x2a: {  	_ =	swait.ge [sflag:s15], $0x2780  }
0x2b: {  	s6 =	sadd.s32 $0x1, s6;
	s12 =	rddreg [dreg:$0xa]  }
0x2c: {  	p0 =	sne.s32 s6, s12  }
.Ltmp1:
0x2d: {  	_ = 	snop;
	(pc) =	sbr.rel @!p0 .LBB2_7-.Ltmp1, $3  }
0x2e: {  	_ =	sdelay $0x1  }
0x2f: {  	[sflag:s15] =	ssyncset.done $0x0  }
0x30: {  	[sflag:s15] =	ssyncadd.s32 $0xFFFFD880  }
.LBB2_1:
0x31: {  	s5 =	rddreg [dreg:$0x4]  }
0x32: {  	s12 =	rddreg [dreg:$0x5]  }
0x33: {  	[tilespmem:s4], [sflag:$0x1] =	stream.linear.gather [hbm4b:s5+s4], $0x2710, $0x38;
	[tilespmem:$0x1D980] =	vst v63  }
0x34: {  	[spmem:s14], [sflag:s7] =	dma.local [hbm:s12], $0x2780  }
0x35: {  	_ =	swait.ge [sflag:s15], $0x2780  }
0x36: {  	[sflag:s15] =	ssyncset.done $0x0  }
0x37: {  	[sflag:s15] =	ssyncadd.s32 $0xFFFFD880  }
0x38: {  	_ =	swait.ge [sflag:s16], $0x2710  }
0x39: {  	[sflag:s16] =	ssyncset.done $0x0  }
0x3a: {  	s8 =	simm.s32 $0x0;
	s9 =	simm.s32 $0x40;
	[sflag:s16] =	ssyncadd.s32 $0xFFFFD8F0  }
.LBB2_2:
0x3b: {  	p0 =	sne.s32 s9, $0x9C00;
	v1 =	vld [tilespmem:s8+$0x0];
	_ =	sdelay $0x1  }
.Ltmp2:
0x3c: {  	(pc) =	sbr.rel @p0 .LBB2_2-.Ltmp2, $3  }
0x3d: {  	_ =	sdelay $0x1  }
0x3e: {  	v1 =	vadd.s32 v0, v1  }
0x3f: {  	[tilespmem:s8+$0x0] =	vst v1;
	s8 =	sshra.s32 s9, $0x2;
	s9 =	sadd.s32 $0x40, s9  }
0x40: {  	v1 =	vld [tilespmem:s8+$0x0];
	_ =	sdelay $0x4  }
0x41: {  	v1 =	vadd.s32 v0, v1  }
0x42: {  	[tilespmem:s8+$0x0] =	vst v1  }
0x43: {  	[bflag:$0x0] =	sbarrier.arrive $0xFFFF  }
0x44: {  	s8 =	simm.s32 $0x0;
	s5 =	rddreg [dreg:$0x6]  }
0x45: {  	[tilespmem:s17], [sflag:$0x8] =	stream.linear.gather [hbm4b:s5+s8], $0x50, $0x38;
	[tilespmem:$0x1D980] =	vst v63  }
0x46: {  	_ = 	snop  }
0x47: {  	[tilespmem:s19], [sflag:$0x2] =	stream.indirect.gather [hbm4b:s2+s18], $0x80, s8, s18, $0xb8;
	[tilespmem:$0x1D980] =	vst v63  }
0x48: {  	s10 =	rddreg [dreg:$0x7]  }
0x49: {  	[tilespmem:s20], [sflag:$0x9] =	stream.linear.gather [hbm4b:s10+s8], $0x50, $0x38;
	[tilespmem:$0x1D980] =	vst v63  }
0x4a: {  	_ = 	snop  }
0x4b: {  	[tilespmem:s21], [sflag:$0x3] =	stream.indirect.gather [hbm4b:s2+s18], $0x80, s18, s18, $0xb8;
	[tilespmem:$0x1D980] =	vst v63  }
0x4c: {  	s11 =	rddreg [dreg:$0x8]  }
0x4d: {  	[tilespmem:s22], [sflag:$0xA] =	stream.linear.gather [hbm4b:s11+s8], $0x50, $0x38;
	[tilespmem:$0x1D980] =	vst v63  }
0x4e: {  	s12 =	simm.s32 $0xA0;
	s9 =	simm.s32 $0x190;
	s10 =	simm.s32 $0x0  }
0x4f: {  	[tilespmem:s24], [sflag:$0x4] =	stream.indirect.gather [hbm4b:s2+s18], $0x80, s12, s18, $0xb8;
	[tilespmem:$0x1D980] =	vst v63  }
.LBB2_4:
0x50: {  	_ =	swait.ge [sflag:s25], $0x50  }
0x51: {  	p0 =	seq.s32 s8, $0x4CE;
	[sflag:s25] =	ssyncset.done $0x0  }
.Ltmp3:
0x52: {  	[sflag:s25] =	ssyncadd.s32 $0xFFFFFFB0;
	(pc) =	sbr.rel @p0 .LBB2_8-.Ltmp3, $4  }
0x53: {  	_ =	swait.ge [sflag:s26], $0x2800  }
0x54: {  	[sflag:s26] =	ssyncset.done $0x0  }
0x55: {  	[sflag:s26] =	ssyncadd.s32 $0xFFFFD800  }
0x56: {  	[spmem:s3] =	stream.indirect.scatter.add.f32 [tilespmem:s19], [sflag:$0x5], $0x80, s17, s18, $0xb8;
	[tilespmem:$0x1D980] =	vst v63  }
0x57: {  	_ =	swait.ge [sflag:s30], $0x2800  }
0x58: {  	s11 =	sadd.s32 s8, s13;
	[sflag:s30] =	ssyncset.done $0x0  }
0x59: {  	s12 =	sadd.s32 $0x4E3E, s11;
	[sflag:s30] =	ssyncadd.s32 $0xFFFFD800  }
0x5a: {  	[tilespmem:s17], [sflag:$0x8] =	stream.linear.gather [hbm4b:s12+s4], $0x50, $0x38;
	[tilespmem:$0x1D980] =	vst v63  }
0x5b: {  	s5 =	sadd.s32 $0xFFFFFF60, s9  }
0x5c: {  	[tilespmem:s19], [sflag:$0x2] =	stream.indirect.gather [hbm4b:s2+s18], $0x80, s5, s18, $0xb8;
	[tilespmem:$0x1D980] =	vst v63  }
0x5d: {  	_ =	swait.ge [sflag:s28], $0x50  }
0x5e: {  	[sflag:s28] =	ssyncset.done $0x0  }
0x5f: {  	[sflag:s28] =	ssyncadd.s32 $0xFFFFFFB0  }
0x60: {  	_ =	swait.ge [sflag:s29], $0x2800  }
0x61: {  	[sflag:s29] =	ssyncset.done $0x0  }
0x62: {  	[sflag:s29] =	ssyncadd.s32 $0xFFFFD800  }
0x63: {  	[spmem:s3] =	stream.indirect.scatter.add.f32 [tilespmem:s21], [sflag:$0x6], $0x80, s20, s18, $0xb8;
	[tilespmem:$0x1D980] =	vst v63  }
0x64: {  	_ =	swait.ge [sflag:s31], $0x2800  }
0x65: {  	[sflag:s31] =	ssyncset.done $0x0  }
0x66: {  	s11 =	sadd.s32 $0x4E48, s11;
	[sflag:s31] =	ssyncadd.s32 $0xFFFFD800  }
0x67: {  	[tilespmem:s20], [sflag:$0x9] =	stream.linear.gather [hbm4b:s11+s4], $0x50, $0x38;
	[tilespmem:$0x1D980] =	vst v63  }
0x68: {  	s12 =	sadd.s32 $0xFFFFFFB0, s9  }
0x69: {  	[tilespmem:s21], [sflag:$0x3] =	stream.indirect.gather [hbm4b:s2+s18], $0x80, s12, s18, $0xb8;
	[tilespmem:$0x1D980] =	vst v63  }
0x6a: {  	_ =	swait.ge [sflag:s0], $0x50  }
0x6b: {  	[sflag:s0] =	ssyncset.done $0x0  }
0x6c: {  	[sflag:s0] =	ssyncadd.s32 $0xFFFFFFB0  }
0x6d: {  	_ =	swait.ge [sflag:s23], $0x2800  }
0x6e: {  	p0 =	sgt.u32 s10, $0x27;
	[sflag:s23] =	ssyncset.done $0x0  }
0x6f: {  	s11 =	simm.s32 @!p0 $0x7;
	[sflag:s23] =	ssyncadd.s32 $0xFFFFD800  }
0x70: {  	[spmem:s3] =	stream.indirect.scatter.add.f32 [tilespmem:s24], [sflag:$0x7], $0x80, s22, s18, $0xb8;
	[tilespmem:$0x1D980] =	vst v63  }
0x71: {  	_ =	swait.ge @!p0 [sflag:s11], $0x2800  }
0x72: {  	[sflag:s11] =	ssyncset.done @!p0 $0x0  }
0x73: {  	[sflag:s11] =	ssyncadd.s32 @!p0 $0xFFFFD800;
	s11 =	sadd.s32 @!p0 s8, s13  }
0x74: {  	s5 =	simm.s32 @!p0 $0x2880;
	s12 =	simm.s32 @!p0 $0x0;
	s11 =	sadd.s32 @!p0 $0x4E52, s11  }
0x75: {  	[tilespmem:s5], [sflag:$0xA] =	stream.linear.gather @!p0 [hbm4b:s11+s12], $0x50, $0x38;
	[tilespmem:$0x1D980] =	vst v63  }
0x76: {  	s8 =	sadd.s32 $0x1E, s8;
	s5 =	simm.s32 @!p0 $0x50;
	s11 =	simm.s32 @!p0 $0x7900  }
0x77: {  	[tilespmem:s11], [sflag:$0x4] =	stream.indirect.gather @!p0 [hbm4b:s2+s5], $0x80, s9, s5, $0xb8;
	[tilespmem:$0x1D980] =	vst v63  }
0x78: {  	p0 =	sne.s32 s8, $0x4EC  }
.Ltmp4:
0x79: {  	_ = 	snop;
	(pc) =	sbr.rel @p0 .LBB2_4-.Ltmp4, $4  }
.Ltmp5:
0x7a: {  	_ = 	snop;
	(pc) =	sbr.rel @!p0 .LBB2_6-.Ltmp5, $4  }
0x7b: {  	_ = 	snop  }
0x7c: {  	_ = 	snop  }
0x7d: {  	s10 =	sadd.s32 $0x1, s10;
	s9 =	sadd.s32 $0xF0, s9  }
0x7e: {  	_ = 	snop  }
.LBB2_7:
0x7f: {  	_ =	sfence.sel $0x180000  }
0x80: {  	[bflag:$0x0] =	sbarrier.arrive $0xFFFF  }
0x81: {  	_ =	strace $0x9000004D  }
0x82: {  	s0 =	stileid.u32;
	[bflag:$0x2] =	sbarrier.arrive $0xFFFF  }
0x83: {  	p0 =	sne.s32 s0, $0x0;
	s0 =	rddreg [dreg:$0x3]  }
0x84: {  	s0 =	sadd.s32 @!p0 $0x100000, s0  }
0x85: {  	[sflag:s0] =	ssyncadd.tile.s32 @!p0 $0x1;
	_ =	shalt  }
.Lfunc_end2:
_tile_overlayer_lowered:
.L_overlay_start_2:
0x86: {  	(tag) =	ssettag $0x2  }
0x87: {  	s0 =	rddreg [dreg:$0x0];
	s2 =	stileid.u32  }
0x88: {  	s1 =	rddreg [dreg:$0x1];
	p0 =	sne.s32 s2, $0x0  }
0x89: {  	s3 =	rddreg [dreg:$0x2];
	[bflag:$0x3] =	sbarrier.arrive $0xFFFF;
	s2 =	simm.s32 @!p0 $0x1C0B  }
0x8a: {  	[timem:s3], [sflag:s2] =	dma.local @!p0 [hbm:s0], s1  }
0x8b: {  	s0 =	simm.s32 @!p0 $0xB  }
0x8c: {  	_ =	swait.ge @!p0 [sflag:s0], s1  }
0x8d: {  	s1 =	ssub.s32 @!p0 $0x0, s1;
	[sflag:s0] =	ssyncset.done @!p0 $0x0  }
0x8e: {  	[sflag:s0] =	ssyncadd.s32 @!p0 s1  }
0x8f: {  	[bflag:$0x3] =	sbarrier.arrive $0xFFFF  }
0x90: {  	_ =	shalt  }

// kernel: kernel.19.cloned.1.call-start
scs
__scs_entry_jumppad:
0x0: {  	(pc) =	sbr.rel $0x88, $3  }
0x1: {  	(tag) =	ssettag $0x0;
	lr =	simm.s32 $0x1  }
0x2: {  	[smem:$0x3F97] =	sst lr;
	_ =	strace $0xD0000000  }
0x3: {  	_ = 	snop  }
0x4: {  	_ = 	snop  }
0x5: {  	_ = 	snop  }
0x6: {  	_ = 	snop  }
0x7: {  	_ = 	snop  }
__scs_overlays_trampoline_lowered:
0x8: {  	[smem:$0x3FA6] =	sst s0  }
0x9: {  	[smem:$0x3FA7] =	sst s1  }
0xa: {  	[smem:$0x3FA8] =	sst s2  }
0xb: {  	[smem:$0x3FA9] =	sst s3  }
0xc: {  	[smem:$0x3FAA] =	sst s4  }
0xd: {  	[smem:$0x3FAB] =	sst s5  }
0xe: {  	[smem:$0x3FAC] =	sst s6  }
0xf: {  	[smem:$0x3FAD] =	sst s7  }
0x10: {  	[smem:$0x3FAE] =	sst s8  }
0x11: {  	[smem:$0x3FAF] =	sst s9;
	s0 =	simm.s32 @!p0 $0x0  }
0x12: {  	s1 =	sld [smem:$0x3F95];
	s0 =	simm.s32 @p0 $0x1  }
0x13: {  	[smem:$0x3FB0] =	sst s0;
	s0 =	simm.s32 @!p1 $0x0  }
0x14: {  	s2 =	sld [smem:$0x3F94];
	s0 =	simm.s32 @p1 $0x1  }
0x15: {  	[smem:$0x3FB1] =	sst s0;
	s0 =	simm.s32 @!p2 $0x0  }
0x16: {  	s3 =	sld [smem:$0x3FDB];
	s0 =	simm.s32 @p2 $0x1  }
0x17: {  	s4 =	simm.s32 $0x1BF5;
	[smem:$0x3FB3] =	sst s0  }
0x18: {  	s0 =	sld [smem:$0x3F96];
	_ =	swait.ge [sflag:s4], $0x0  }
0x19: {  	s7 =	sld [smem:$0x3F97]  }
0x1a: {  	s8 =	sadd.s32 $0xFFFFE003, lr  }
0x1b: {  	s9 =	sadd.s32 $0xFFFFFEF7, lr;
	s5 =	simm.s32 $0xFFFFFFFF;
	p2 =	slt.u32 s8, $0xFFFFF086  }
0x1c: {  	p1 =	slt.u32 s9, $0xF7A;
	s5 =	simm.s32 @!p2 $0x0  }
0x1d: {  	s5 =	simm.s32 @p1 $0x1;
	p0 =	seq.s32 s7, s2  }
0x1e: {  	s7 =	smul.u32 @!p0 $0xF7A, s2;
	p2 =	seq.s32 @!p0 s5, $0x0  }
0x1f: {  	s9 =	smul.u32 $0xF7A, s1;
	s8 =	simm.s32 @!p0 $0x1BF5;
	p2 =	por !p2, p0  }
0x20: {  	[sflag:s8] =	ssyncset.s32 @!p0 $0xFFFFF086;
	s6 =	sadd.s32 @!p0 s3, s7;
	s7 =	simm.s32 @!p0 $0x108  }
0x21: {  	s3 =	sadd.s32 s3, s9;
	s6 =	sadd.s32 @!p0 $0x88, s6;
	s7 =	simm.s32 @p2 $0x1082  }
0x22: {  	[simem:s7], [sflag:s8] =	dma.local @!p0 [hbm:s6], $0xF7A  }
0x23: {  	s9 =	sor.u32 $0xD0000000, s2;
	s6 =	simm.s32 $0x108;
	_ =	swait.ge @!p0 [sflag:s8], $0x0  }
0x24: {  	s3 =	sadd.s32 $0x88, s3;
	s6 =	simm.s32 @!p1 $0x1082;
	[sflag:s4] =	ssyncset.s32 $0xFFFFF086  }
0x25: {  	[simem:s6], [sflag:s4] =	dma.local [hbm:s3], $0xF7A  }
0x26: {  	[smem:$0x3F97] =	sst s1;
	(tag) =	ssettag s2;
	_ =	strace s9  }
0x27: {  	s1 =	sld [smem:$0x3FA7]  }
0x28: {  	s2 =	sld [smem:$0x3FA8]  }
0x29: {  	s4 =	sld [smem:$0x3FAA]  }
0x2a: {  	p0 =	seq.s32 s5, $0x0;
	s5 =	sld [smem:$0x3FAB]  }
0x2b: {  	s6 =	sld [smem:$0x3FAC]  }
0x2c: {  	s7 =	sld [smem:$0x3FAD]  }
0x2d: {  	s3 =	simm.s32 $0x108;
	s8 =	sld [smem:$0x3FAE]  }
0x2e: {  	s3 =	simm.s32 @!p0 $0x1082;
	s9 =	sld [smem:$0x3FAF]  }
0x2f: {  	lr =	sadd.s32 s0, s3;
	s0 =	sld [smem:$0x3FA6]  }
0x30: {  	s3 =	sld [smem:$0x3FA9]  }
0x31: {  	[smem:$0x3FB2] =	sst s10  }
0x32: {  	s10 =	sld [smem:$0x3FB0];
	_ =	sdelay $0x3  }
0x33: {  	p0 =	seq.s32 s10, $0x1;
	s10 =	sld [smem:$0x3FB2];
	_ =	sdelay $0x3  }
0x34: {  	[smem:$0x3FB2] =	sst s10  }
0x35: {  	s10 =	sld [smem:$0x3FB1];
	_ =	sdelay $0x3  }
0x36: {  	p1 =	seq.s32 s10, $0x1;
	s10 =	sld [smem:$0x3FB2];
	_ =	sdelay $0x3  }
0x37: {  	[smem:$0x3FB2] =	sst s10  }
0x38: {  	s10 =	sld [smem:$0x3FB3]  }
0x39: {  	_ = 	snop;
	(pc) =	sbr.ind lr, $3  }
0x3a: {  	_ = 	snop  }
0x3b: {  	_ = 	snop  }
0x3c: {  	p2 =	seq.s32 s10, $0x1;
	s10 =	sld [smem:$0x3FB2]  }
0x3d: {  	_ =	shalt  }
0x3e: {  	_ =	shalt  }
0x3f: {  	_ =	shalt  }
0x40: {  	_ =	shalt  }
0x41: {  	_ =	shalt  }
0x42: {  	_ =	shalt  }
0x43: {  	_ =	shalt  }
0x44: {  	_ =	shalt  }
0x45: {  	_ =	shalt  }
0x46: {  	_ =	shalt  }
0x47: {  	_ =	shalt  }
0x48: {  	_ =	shalt  }
0x49: {  	_ =	shalt  }
0x4a: {  	_ =	shalt  }
0x4b: {  	_ =	shalt  }
0x4c: {  	_ =	shalt  }
0x4d: {  	_ =	shalt  }
0x4e: {  	_ =	shalt  }
0x4f: {  	_ =	shalt  }
0x50: {  	_ =	shalt  }
0x51: {  	_ =	shalt  }
0x52: {  	_ =	shalt  }
0x53: {  	_ =	shalt  }
0x54: {  	_ =	shalt  }
0x55: {  	_ =	shalt  }
0x56: {  	_ =	shalt  }
0x57: {  	_ =	shalt  }
0x58: {  	_ =	shalt  }
0x59: {  	_ =	shalt  }
0x5a: {  	_ =	shalt  }
0x5b: {  	_ =	shalt  }
0x5c: {  	_ =	shalt  }
0x5d: {  	_ =	shalt  }
0x5e: {  	_ =	shalt  }
0x5f: {  	_ =	shalt  }
0x60: {  	_ =	shalt  }
0x61: {  	_ =	shalt  }
0x62: {  	_ =	shalt  }
0x63: {  	_ =	shalt  }
0x64: {  	_ =	shalt  }
0x65: {  	_ =	shalt  }
0x66: {  	_ =	shalt  }
0x67: {  	_ =	shalt  }
0x68: {  	_ =	shalt  }
0x69: {  	_ =	shalt  }
0x6a: {  	_ =	shalt  }
0x6b: {  	_ =	shalt  }
0x6c: {  	_ =	shalt  }
0x6d: {  	_ =	shalt  }
0x6e: {  	_ =	shalt  }
0x6f: {  	_ =	shalt  }
0x70: {  	_ =	shalt  }
0x71: {  	_ =	shalt  }
0x72: {  	_ =	shalt  }
0x73: {  	_ =	shalt  }
0x74: {  	_ =	shalt  }
0x75: {  	_ =	shalt  }
0x76: {  	_ =	shalt  }
0x77: {  	_ =	shalt  }
0x78: {  	_ =	shalt  }
0x79: {  	_ =	shalt  }
0x7a: {  	_ =	shalt  }
0x7b: {  	_ =	shalt  }
0x7c: {  	_ =	shalt  }
0x7d: {  	_ =	shalt  }
0x7e: {  	_ =	shalt  }
0x7f: {  	_ =	shalt  }
0x80: {  	_ =	shalt  }
0x81: {  	_ =	shalt  }
0x82: {  	_ =	shalt  }
0x83: {  	_ =	shalt  }
0x84: {  	_ =	shalt  }
0x85: {  	_ =	shalt  }
0x86: {  	_ =	shalt  }
0x87: {  	_ =	shalt  }
.Lfunc_end0:
.L_simem_size_0:
called_computation.3_lowered:
.L_overlay_start_0:
0x88: {  	s2 =	sld [smem:$0x3FD9]  }
0x89: {  	s3 =	sld [smem:$0x3FFE];
	_ =	sdelay $0x1  }
0x8a: {  	s1 =	srdreg.scid  }
0x8b: {  	s0 =	sand.u32 $0x1, s1  }
0x8c: {  	s17 =	sshll.u32 s0, $0xA;
	s2 =	sadd.s32 s3, s2  }
0x8d: {  	s2 =	sadd.s32 s2, s17  }
0x8e: {  	[smem:$0x3FBE] =	sst s2  }
0x8f: {  	_ = 	snop  }
0x90: {  	s2 =	sld [smem:$0x3FD0];
	(tm) =	ssettm $0x1  }
0x91: {  	s18 =	sld [smem:$0x3FFB];
	_ =	sdelay $0x3  }
0x92: {  	_ =	strace s18  }
0x93: {  	s3 =	sld [smem:$0x3FFC];
	_ =	sdelay $0x3  }
0x94: {  	_ =	strace s3  }
0x95: {  	s3 =	sld [smem:$0x3FFD];
	_ =	sdelay $0x3  }
0x96: {  	_ =	strace s3  }
0x97: {  	_ =	strace $0x8FFFFFFF  }
0x98: {  	s19 =	sld [smem:$0x3FDB];
	_ =	sdelay $0x1  }
0x99: {  	s4 =	simm.s32 $_scs_section_size  }
0x9a: {  	s5 =	simm.s32 $_size__tile_overlayer_lowered;
	s6 =	simm.s32 $_tile_overlayer_lowered  }
0x9b: {  	s22 =	simm.s32 $0x1BFF;
	s21 =	sshll.u32 s6, $0x1;
	s3 =	sadd.s32 s4, s19  }
0x9c: {  	s7 =	simm.s32 $0x0;
	s20 =	sshll.u32 s5, $0x1;
	s5 =	sadd.s32 s21, s3  }
0x9d: {  	[timem:s7], [sflag:s22] =	dma.local [hbm:s5], s20  }
0x9e: {  	_ =	swait.ge [sflag:s22], s20  }
0x9f: {  	s4 =	ssub.s32 $0x0, s20;
	[sflag:s22] =	ssyncset.done $0x0  }
0xa0: {  	[sflag:s22] =	ssyncadd.s32 s4;
	_ =	sdelay $0x1  }
0xa1: {  	s23 =	simm.s32 $0x1B8B  }
0xa2: {  	_ =	swait.ge [sflag:s23], $0x1  }
0xa3: {  	[sflag:s23] =	ssyncset.done $0x0  }
0xa4: {  	s25 =	simm.s32 $0x1B8E;
	s24 =	sld [smem:$0x3FFE];
	[sflag:s23] =	ssyncadd.s32 $0xFFFFFFFF  }
0xa5: {  	s26 =	simm.s32 $execute0_lowered;
	[smem:$0x3FD2] =	sst s25  }
0xa6: {  	s5 =	sshll.u32 s26, $0x1;
	_ =	strace $0x8000004F;
	[dreg:$0x1] =	wrdreg $0xFFFFFFFF  }
0xa7: {  	s28 =	simm.s32 $_size_execute0_lowered;
	s3 =	sadd.s32 s3, s5;
	[dreg:$0x0] =	wrdreg $0x0  }
0xa8: {  	s5 =	sshll.u32 s28, $0x1;
	[dreg:$0x2] =	wrdreg s3  }
0xa9: {  	[dreg:$0x3] =	wrdreg s5  }
0xaa: {  	[dreg:$0x4] =	wrdreg $0xC0  }
0xab: {  	_ =	task [dreg:s7], $0x5FFFF  }
0xac: {  	[dreg:$0x1] =	wrdreg $0xFFFFFFFF  }
0xad: {  	[dreg:$0x0] =	wrdreg $0x60  }
0xae: {  	[dreg:$0x2] =	wrdreg s24  }
0xaf: {  	[dreg:$0x3] =	wrdreg s2  }
0xb0: {  	[dreg:$0x4] =	wrdreg $0xA1000  }
0xb1: {  	[dreg:$0x5] =	wrdreg $0x9  }
0xb2: {  	_ =	task.clear_ibuf [dreg:s7], $0x6FFFF;
	_ =	strace $0x9000004F  }
0xb3: {  	s29 =	simm.s32 $0x9;
	_ =	strace $0x80000051  }
0xb4: {  	_ =	swait.ge [sflag:s29], $0x1  }
0xb5: {  	[sflag:s29] =	ssyncadd.s32 $0xFFFFFFFF  }
0xb6: {  	_ =	strace $0x90000051  }
0xb7: {  	_ =	sfence  }
0xb8: {  	s30 =	sld [smem:$0x0];
	_ =	sdelay $0x2  }
0xb9: {  	s31 =	sshll.u32 s1, $0xD;
	s1 =	sshrl.u32 s1, $0x2  }
0xba: {  	s3 =	sand.u32 $0x4000, s31;
	s1 =	sadd.s32 s1, s30  }
0xbb: {  	s0 =	sor.u32 s3, s0;
	s1 =	sshll.u32 s1, $0x11  }
0xbc: {  	s0 =	sor.u32 s1, s0  }
0xbd: {  	s0 =	sadd.s32 $0x8F2B, s0  }
0xbe: {  	[sflag:s0] =	ssyncadd.remote.s32 $0x1  }
0xbf: {  	_ =	sfence.sel $0xFFFF  }
0xc0: {  	[dreg:$0x0] =	wrdreg $0xFFFFFFFF;
	(pc) =	sbr.abs _section_cstart, $3  }
0xc1: {  	[dreg:$0x1] =	wrdreg $0xFFFFFFFF  }
0xc2: {  	_ =	task.clear_ibuf [dreg:s7], $0x2FFFF;
	_ =	strace $0x9FFFFFFF  }
0xc3: {  	(tm) =	ssettm $0x7FFFFFFF  }
tec
execute0_lowered:
.L_overlay_start_1:
0x0: {  	(tag) =	ssettag $0x1  }
0x1: {  	s0 =	rddreg [dreg:$0x0]  }
0x2: {  	s2 =	rddreg [dreg:$0x1];
	s1 =	srdreg.scid  }
0x3: {  	s11 =	stileid.u32;
	s3 =	rddreg [dreg:$0x2]  }
0x4: {  	s4 =	simm.s32 $0x0;
	s15 =	simm.s32 $0xB;
	s16 =	simm.s32 $0x1  }
0x5: {  	s17 =	simm.s32 $0x2780;
	s18 =	simm.s32 $0x50;
	s28 =	simm.s32 $0x9  }
0x6: {  	s29 =	simm.s32 $0x3;
	s30 =	simm.s32 $0x5;
	s5 =	smul.u32 $0x278, s11  }
0x7: {  	s31 =	simm.s32 $0x6;
	s1 =	sand.u32 $0x1, s1;
	s8 =	smul.u32 $0x2710, s11  }
0x8: {  	[smem:$0x7FF] =	sst s4;
	s9 =	sadd.s32 $0x3200, s0;
	s23 =	smul.u32 $0x4E2, s11  }
0x9: {  	s22 =	sshll.u32 s11, $0x6;
	s6 =	smul.u32 $0x2710, s1;
	s1 =	ssub.s32 $0x2, s1  }
0xa: {  	_ =	strace $0x80000050;
	s5 =	smin.u32 s5, $0x2498;
	s10 =	sshrl.u32 s1, $0x1  }
0xb: {  	s8 =	sshrl.u32 s8, $0x3;
	s13 =	sadd.s32 s23, s9;
	s23 =	simm.s32 $0x4  }
0xc: {  	s7 =	sadd.s32 s6, s5;
	s1 =	ssub.s32 s1, s10;
	s19 =	sshll.u32 s5, $0x7  }
0xd: {  	s20 =	sadd.s32 s9, s8;
	v0 =	vmov s6;
	s6 =	simm.s32 $0x0;
	s7 =	sshll.u32 s7, $0x4  }
0xe: {  	s21 =	sadd.s32 s19, s3;
	s24 =	sadd.s32 $0x4E20, s20;
	s25 =	sadd.s32 $0x4E2A, s20  }
0xf: {  	[dreg:$0x4] =	wrdreg s20;
	s5 =	sadd.s32 $0x4E34, s20;
	s26 =	smax.u32 s1, $0x1  }
0x10: {  	s19 =	simm.s32 $0x2900;
	s20 =	simm.s32 $0x2800;
	[dreg:$0x6] =	wrdreg s24  }
0x11: {  	s1 =	simm.s32 $0x7;
	s0 =	sadd.s32 s7, s0;
	[dreg:$0x7] =	wrdreg s25  }
.Ltmp0:
0x12: {  	s7 =	sadd.s32 s2, s7;
	[dreg:$0x8] =	wrdreg s5;
	(pc) =	sbr.rel .LBB2_1-.Ltmp0, $4  }
0x13: {  	[dreg:$0xa] =	wrdreg s26;
	s14 =	sshrl.u32 s21, $0x3;
	s21 =	simm.s32 $0x5100  }
0x14: {  	s24 =	simm.s32 $0x7900;
	s25 =	simm.s32 $0x8;
	s26 =	simm.s32 $0x2  }
0x15: {  	[dreg:$0x5] =	wrdreg s7;
	s7 =	sor.u32 $0x1C0B, s22;
	s0 =	sadd.s32 $0x5B200, s0  }
0x16: {  	s22 =	simm.s32 $0x2880;
	[dreg:$0x9] =	wrdreg s0;
	s0 =	simm.s32 $0xA  }
.LBB2_8:
0x17: {  	_ =	swait.ge [sflag:s28], $0x50  }
0x18: {  	[sflag:s28] =	ssyncset.done $0x0  }
0x19: {  	[sflag:s28] =	ssyncadd.s32 $0xFFFFFFB0  }
0x1a: {  	_ =	swait.ge [sflag:s29], $0x2800  }
0x1b: {  	[sflag:s29] =	ssyncset.done $0x0  }
0x1c: {  	[sflag:s29] =	ssyncadd.s32 $0xFFFFD800  }
0x1d: {  	[spmem:s3] =	stream.indirect.scatter.add.f32 [tilespmem:s21], [sflag:$0x6], $0x80, s20, s18, $0xb8;
	[tilespmem:$0x1D980] =	vst v63  }
.LBB2_6:
0x1e: {  	_ =	swait.ge [sflag:s30], $0x2800  }
0x1f: {  	[sflag:s30] =	ssyncset.done $0x0  }
0x20: {  	[sflag:s30] =	ssyncadd.s32 $0xFFFFD800  }
0x21: {  	_ =	swait.ge [sflag:s31], $0x2800  }
0x22: {  	[sflag:s31] =	ssyncset.done $0x0  }
0x23: {  	[sflag:s31] =	ssyncadd.s32 $0xFFFFD800  }
0x24: {  	_ =	swait.ge [sflag:s1], $0x2800  }
0x25: {  	[sflag:s1] =	ssyncset.done $0x0  }
0x26: {  	[sflag:s1] =	ssyncadd.s32 $0xFFFFD800  }
0x27: {  	[bflag:$0x0] =	sbarrier.arrive $0xFFFF  }
0x28: {  	s5 =	rddreg [dreg:$0x9]  }
0x29: {  	[hbm:s5], [sflag:s7] =	dma.local [spmem:s14], $0x2780  }
0x2a: {  	_ =	swait.ge [sflag:s15], $0x2780  }
0x2b: {  	s6 =	sadd.s32 $0x1, s6;
	s12 =	rddreg [dreg:$0xa]  }
0x2c: {  	p0 =	sne.s32 s6, s12  }
.Ltmp1:
0x2d: {  	_ = 	snop;
	(pc) =	sbr.rel @!p0 .LBB2_7-.Ltmp1, $3  }
0x2e: {  	_ =	sdelay $0x1  }
0x2f: {  	[sflag:s15] =	ssyncset.done $0x0  }
0x30: {  	[sflag:s15] =	ssyncadd.s32 $0xFFFFD880  }
.LBB2_1:
0x31: {  	s5 =	rddreg [dreg:$0x4]  }
0x32: {  	s12 =	rddreg [dreg:$0x5]  }
0x33: {  	[tilespmem:s4], [sflag:$0x1] =	stream.linear.gather [hbm4b:s5+s4], $0x2710, $0x38;
	[tilespmem:$0x1D980] =	vst v63  }
0x34: {  	[spmem:s14], [sflag:s7] =	dma.local [hbm:s12], $0x2780  }
0x35: {  	_ =	swait.ge [sflag:s15], $0x2780  }
0x36: {  	[sflag:s15] =	ssyncset.done $0x0  }
0x37: {  	[sflag:s15] =	ssyncadd.s32 $0xFFFFD880  }
0x38: {  	_ =	swait.ge [sflag:s16], $0x2710  }
0x39: {  	[sflag:s16] =	ssyncset.done $0x0  }
0x3a: {  	s8 =	simm.s32 $0x0;
	s9 =	simm.s32 $0x40;
	[sflag:s16] =	ssyncadd.s32 $0xFFFFD8F0  }
.LBB2_2:
0x3b: {  	p0 =	sne.s32 s9, $0x9C00;
	v1 =	vld [tilespmem:s8+$0x0];
	_ =	sdelay $0x1  }
.Ltmp2:
0x3c: {  	(pc) =	sbr.rel @p0 .LBB2_2-.Ltmp2, $3  }
0x3d: {  	_ =	sdelay $0x1  }
0x3e: {  	v1 =	vadd.s32 v0, v1  }
0x3f: {  	[tilespmem:s8+$0x0] =	vst v1;
	s8 =	sshra.s32 s9, $0x2;
	s9 =	sadd.s32 $0x40, s9  }
0x40: {  	v1 =	vld [tilespmem:s8+$0x0];
	_ =	sdelay $0x4  }
0x41: {  	v1 =	vadd.s32 v0, v1  }
0x42: {  	[tilespmem:s8+$0x0] =	vst v1  }
0x43: {  	[bflag:$0x0] =	sbarrier.arrive $0xFFFF  }
0x44: {  	s8 =	simm.s32 $0x0;
	s5 =	rddreg [dreg:$0x6]  }
0x45: {  	[tilespmem:s17], [sflag:$0x8] =	stream.linear.gather [hbm4b:s5+s8], $0x50, $0x38;
	[tilespmem:$0x1D980] =	vst v63  }
0x46: {  	_ = 	snop  }
0x47: {  	[tilespmem:s19], [sflag:$0x2] =	stream.indirect.gather [hbm4b:s2+s18], $0x80, s8, s18, $0xb8;
	[tilespmem:$0x1D980] =	vst v63  }
0x48: {  	s10 =	rddreg [dreg:$0x7]  }
0x49: {  	[tilespmem:s20], [sflag:$0x9] =	stream.linear.gather [hbm4b:s10+s8], $0x50, $0x38;
	[tilespmem:$0x1D980] =	vst v63  }
0x4a: {  	_ = 	snop  }
0x4b: {  	[tilespmem:s21], [sflag:$0x3] =	stream.indirect.gather [hbm4b:s2+s18], $0x80, s18, s18, $0xb8;
	[tilespmem:$0x1D980] =	vst v63  }
0x4c: {  	s11 =	rddreg [dreg:$0x8]  }
0x4d: {  	[tilespmem:s22], [sflag:$0xA] =	stream.linear.gather [hbm4b:s11+s8], $0x50, $0x38;
	[tilespmem:$0x1D980] =	vst v63  }
0x4e: {  	s12 =	simm.s32 $0xA0;
	s9 =	simm.s32 $0x190;
	s10 =	simm.s32 $0x0  }
0x4f: {  	[tilespmem:s24], [sflag:$0x4] =	stream.indirect.gather [hbm4b:s2+s18], $0x80, s12, s18, $0xb8;
	[tilespmem:$0x1D980] =	vst v63  }
.LBB2_4:
0x50: {  	_ =	swait.ge [sflag:s25], $0x50  }
0x51: {  	p0 =	seq.s32 s8, $0x4CE;
	[sflag:s25] =	ssyncset.done $0x0  }
.Ltmp3:
0x52: {  	[sflag:s25] =	ssyncadd.s32 $0xFFFFFFB0;
	(pc) =	sbr.rel @p0 .LBB2_8-.Ltmp3, $4  }
0x53: {  	_ =	swait.ge [sflag:s26], $0x2800  }
0x54: {  	[sflag:s26] =	ssyncset.done $0x0  }
0x55: {  	[sflag:s26] =	ssyncadd.s32 $0xFFFFD800  }
0x56: {  	[spmem:s3] =	stream.indirect.scatter.add.f32 [tilespmem:s19], [sflag:$0x5], $0x80, s17, s18, $0xb8;
	[tilespmem:$0x1D980] =	vst v63  }
0x57: {  	_ =	swait.ge [sflag:s30], $0x2800  }
0x58: {  	s11 =	sadd.s32 s8, s13;
	[sflag:s30] =	ssyncset.done $0x0  }
0x59: {  	s12 =	sadd.s32 $0x4E3E, s11;
	[sflag:s30] =	ssyncadd.s32 $0xFFFFD800  }
0x5a: {  	[tilespmem:s17], [sflag:$0x8] =	stream.linear.gather [hbm4b:s12+s4], $0x50, $0x38;
	[tilespmem:$0x1D980] =	vst v63  }
0x5b: {  	s5 =	sadd.s32 $0xFFFFFF60, s9  }
0x5c: {  	[tilespmem:s19], [sflag:$0x2] =	stream.indirect.gather [hbm4b:s2+s18], $0x80, s5, s18, $0xb8;
	[tilespmem:$0x1D980] =	vst v63  }
0x5d: {  	_ =	swait.ge [sflag:s28], $0x50  }
0x5e: {  	[sflag:s28] =	ssyncset.done $0x0  }
0x5f: {  	[sflag:s28] =	ssyncadd.s32 $0xFFFFFFB0  }
0x60: {  	_ =	swait.ge [sflag:s29], $0x2800  }
0x61: {  	[sflag:s29] =	ssyncset.done $0x0  }
0x62: {  	[sflag:s29] =	ssyncadd.s32 $0xFFFFD800  }
0x63: {  	[spmem:s3] =	stream.indirect.scatter.add.f32 [tilespmem:s21], [sflag:$0x6], $0x80, s20, s18, $0xb8;
	[tilespmem:$0x1D980] =	vst v63  }
0x64: {  	_ =	swait.ge [sflag:s31], $0x2800  }
0x65: {  	[sflag:s31] =	ssyncset.done $0x0  }
0x66: {  	s11 =	sadd.s32 $0x4E48, s11;
	[sflag:s31] =	ssyncadd.s32 $0xFFFFD800  }
0x67: {  	[tilespmem:s20], [sflag:$0x9] =	stream.linear.gather [hbm4b:s11+s4], $0x50, $0x38;
	[tilespmem:$0x1D980] =	vst v63  }
0x68: {  	s12 =	sadd.s32 $0xFFFFFFB0, s9  }
0x69: {  	[tilespmem:s21], [sflag:$0x3] =	stream.indirect.gather [hbm4b:s2+s18], $0x80, s12, s18, $0xb8;
	[tilespmem:$0x1D980] =	vst v63  }
0x6a: {  	_ =	swait.ge [sflag:s0], $0x50  }
0x6b: {  	[sflag:s0] =	ssyncset.done $0x0  }
0x6c: {  	[sflag:s0] =	ssyncadd.s32 $0xFFFFFFB0  }
0x6d: {  	_ =	swait.ge [sflag:s23], $0x2800  }
0x6e: {  	p0 =	sgt.u32 s10, $0x27;
	[sflag:s23] =	ssyncset.done $0x0  }
0x6f: {  	s11 =	simm.s32 @!p0 $0x7;
	[sflag:s23] =	ssyncadd.s32 $0xFFFFD800  }
0x70: {  	[spmem:s3] =	stream.indirect.scatter.add.f32 [tilespmem:s24], [sflag:$0x7], $0x80, s22, s18, $0xb8;
	[tilespmem:$0x1D980] =	vst v63  }
0x71: {  	_ =	swait.ge @!p0 [sflag:s11], $0x2800  }
0x72: {  	[sflag:s11] =	ssyncset.done @!p0 $0x0  }
0x73: {  	[sflag:s11] =	ssyncadd.s32 @!p0 $0xFFFFD800;
	s11 =	sadd.s32 @!p0 s8, s13  }
0x74: {  	s5 =	simm.s32 @!p0 $0x2880;
	s12 =	simm.s32 @!p0 $0x0;
	s11 =	sadd.s32 @!p0 $0x4E52, s11  }
0x75: {  	[tilespmem:s5], [sflag:$0xA] =	stream.linear.gather @!p0 [hbm4b:s11+s12], $0x50, $0x38;
	[tilespmem:$0x1D980] =	vst v63  }
0x76: {  	s8 =	sadd.s32 $0x1E, s8;
	s5 =	simm.s32 @!p0 $0x50;
	s11 =	simm.s32 @!p0 $0x7900  }
0x77: {  	[tilespmem:s11], [sflag:$0x4] =	stream.indirect.gather @!p0 [hbm4b:s2+s5], $0x80, s9, s5, $0xb8;
	[tilespmem:$0x1D980] =	vst v63  }
0x78: {  	p0 =	sne.s32 s8, $0x4EC  }
.Ltmp4:
0x79: {  	_ = 	snop;
	(pc) =	sbr.rel @p0 .LBB2_4-.Ltmp4, $4  }
.Ltmp5:
0x7a: {  	_ = 	snop;
	(pc) =	sbr.rel @!p0 .LBB2_6-.Ltmp5, $4  }
0x7b: {  	_ = 	snop  }
0x7c: {  	_ = 	snop  }
0x7d: {  	s10 =	sadd.s32 $0x1, s10;
	s9 =	sadd.s32 $0xF0, s9  }
0x7e: {  	_ = 	snop  }
.LBB2_7:
0x7f: {  	_ =	sfence.sel $0x180000  }
0x80: {  	[bflag:$0x0] =	sbarrier.arrive $0xFFFF  }
0x81: {  	_ =	strace $0x90000050  }
0x82: {  	s0 =	stileid.u32;
	[bflag:$0x2] =	sbarrier.arrive $0xFFFF  }
0x83: {  	p0 =	sne.s32 s0, $0x0;
	s0 =	rddreg [dreg:$0x3]  }
0x84: {  	s0 =	sadd.s32 @!p0 $0x100000, s0  }
0x85: {  	[sflag:s0] =	ssyncadd.tile.s32 @!p0 $0x1;
	_ =	shalt  }
.Lfunc_end2:
_tile_overlayer_lowered:
.L_overlay_start_2:
0x86: {  	(tag) =	ssettag $0x2  }
0x87: {  	s0 =	rddreg [dreg:$0x0];
	s2 =	stileid.u32  }
0x88: {  	s1 =	rddreg [dreg:$0x1];
	p0 =	sne.s32 s2, $0x0  }
0x89: {  	s3 =	rddreg [dreg:$0x2];
	[bflag:$0x3] =	sbarrier.arrive $0xFFFF;
	s2 =	simm.s32 @!p0 $0x1C0B  }
0x8a: {  	[timem:s3], [sflag:s2] =	dma.local @!p0 [hbm:s0], s1  }
0x8b: {  	s0 =	simm.s32 @!p0 $0xB  }
0x8c: {  	_ =	swait.ge @!p0 [sflag:s0], s1  }
0x8d: {  	s1 =	ssub.s32 @!p0 $0x0, s1;
	[sflag:s0] =	ssyncset.done @!p0 $0x0  }
0x8e: {  	[sflag:s0] =	ssyncadd.s32 @!p0 s1  }
0x8f: {  	[bflag:$0x3] =	sbarrier.arrive $0xFFFF  }
0x90: {  	_ =	shalt  }

</sc_bundles>
